<compile_context>
chip_gen: v7x
topology: tpu7x:2x2x1
jax: 0.10.2.dev20260603
libtpu: 0.0.44.dev20260713+nightly
codegen_flags: <defaults>
</compile_context>

<pallas_src>
import functools

import jax
import jax.numpy as jnp
from jax import lax
from jax.experimental import pallas as pl
from jax.experimental.pallas import tpu as pltpu
from jax.experimental.pallas import tpu_sc as plsc

_BATCH = 16384
_FEATS = 64


def _sc_gather_diff(home_idx, away_idx, strengths):
    info = plsc.get_sparse_core_info()
    num_workers = info.num_cores * info.num_subcores
    bpw = _BATCH // num_workers
    mesh = plsc.VectorSubcoreMesh(core_axis_name="c", subcore_axis_name="s")

    @functools.partial(
        pl.kernel,
        mesh=mesh,
        out_type=jax.ShapeDtypeStruct((_BATCH,), jnp.float32),
        scratch_types=[
            pltpu.VMEM((2 * bpw,), jnp.int32),
            pltpu.VMEM((2 * bpw,), jnp.float32),
            pltpu.SemaphoreType.DMA,
            pltpu.SemaphoreType.DMA,
            pltpu.SemaphoreType.DMA,
            pltpu.SemaphoreType.DMA,
            pltpu.SemaphoreType.DMA,
            pltpu.SemaphoreType.DMA,
            pltpu.SemaphoreType.DMA,
            pltpu.SemaphoreType.DMA,
            pltpu.SemaphoreType.DMA,
            pltpu.SemaphoreType.DMA,
        ],
    )
    def k(home_hbm, away_hbm, table_hbm, out_hbm, ix, sv,
          u0, u1, u2, u3, g0, g1, g2, g3, w0, w1):
        wid = lax.axis_index("s") * info.num_cores + lax.axis_index("c")
        base = wid * bpw
        half = bpw // 2
        cu0 = pltpu.async_copy(home_hbm.at[pl.ds(base, half)],
                               ix.at[pl.ds(0, half)], u0)
        cu1 = pltpu.async_copy(away_hbm.at[pl.ds(base, half)],
                               ix.at[pl.ds(bpw, half)], u1)
        cu2 = pltpu.async_copy(home_hbm.at[pl.ds(base + half, half)],
                               ix.at[pl.ds(half, half)], u2)
        cu3 = pltpu.async_copy(away_hbm.at[pl.ds(base + half, half)],
                               ix.at[pl.ds(bpw + half, half)], u3)
        cu0.wait()
        cg0 = pltpu.async_copy(table_hbm.at[ix.at[pl.ds(0, half)]],
                               sv.at[pl.ds(0, half)], g0)
        cu1.wait()
        cg1 = pltpu.async_copy(table_hbm.at[ix.at[pl.ds(bpw, half)]],
                               sv.at[pl.ds(bpw, half)], g1)
        cu2.wait()
        cg2 = pltpu.async_copy(table_hbm.at[ix.at[pl.ds(half, half)]],
                               sv.at[pl.ds(half, half)], g2)
        cu3.wait()
        cg3 = pltpu.async_copy(table_hbm.at[ix.at[pl.ds(bpw + half, half)]],
                               sv.at[pl.ds(bpw + half, half)], g3)
        cg0.wait()
        cg1.wait()
        for i in range(half // 16):
            sl = pl.ds(i * 16, 16)
            sl2 = pl.ds(bpw + i * 16, 16)
            sv[sl] = sv[sl] - sv[sl2]
        cw0 = pltpu.async_copy(sv.at[pl.ds(0, half)],
                               out_hbm.at[pl.ds(base, half)], w0)
        cg2.wait()
        cg3.wait()
        for i in range(half // 16):
            sl = pl.ds(half + i * 16, 16)
            sl2 = pl.ds(bpw + half + i * 16, 16)
            sv[sl] = sv[sl] - sv[sl2]
        cw1 = pltpu.async_copy(sv.at[pl.ds(half, half)],
                               out_hbm.at[pl.ds(base + half, half)], w1)
        cw0.wait()
        cw1.wait()

    return k(home_idx, away_idx, strengths)


def _matvec_body(xt_ref, b_ref, m_ref, o_ref):
    p = xt_ref[...] * b_ref[...][:, None]
    s = jnp.sum(p, axis=0)
    o_ref[...] = s + m_ref[0]


def _tc_matvec(XT, beta, mu):
    bm = 8192
    return pl.pallas_call(
        _matvec_body,
        grid=(_BATCH // bm,),
        in_specs=[
            pl.BlockSpec((_FEATS, bm), lambda i: (0, i)),
            pl.BlockSpec((_FEATS,), lambda i: (0,)),
            pl.BlockSpec(memory_space=pltpu.SMEM),
        ],
        out_specs=pl.BlockSpec((bm,), lambda i: (i,)),
        out_shape=jax.ShapeDtypeStruct((_BATCH,), jnp.float32),
    )(XT, beta, mu)


def _combine_body(y_ref, d_ref, o_ref):
    o_ref[...] = y_ref[...] + d_ref[...]


def _tc_combine(y, d):
    return pl.pallas_call(
        _combine_body,
        out_shape=jax.ShapeDtypeStruct((_BATCH,), jnp.float32),
    )(y, d)


@jax.jit
def kernel(home_idx, away_idx, X, strengths, beta, mu):
    d = _sc_gather_diff(home_idx, away_idx, strengths)
    y = _tc_matvec(X.T, beta, mu)
    return _tc_combine(y, d)

# --- scband reference (transcript-rebuilt; emitter-appended) ---
"""Pipeline reference for scband-bnstrength-logit-32736240730729 (READ-ONLY COPY).

The authoritative reference and input builder live on the scoring server;
editing this copy changes nothing except your own understanding.
"""

import jax, jax.numpy as jnp
import numpy as np

NUM_TEAMS = 100000
NUM_FEATURES = 64
BATCH = 16384

def setup_inputs(seed: int = 0) -> dict:
    key = jax.random.key(seed)
    k1, k2, k3, k4, k5, k6 = jax.random.split(key, 6)
    home_idx = jax.random.randint(k1, (BATCH,), 0, NUM_TEAMS, dtype=jnp.int64) if jax.config.jax_enable_x64 else jax.random.randint(k1, (BATCH,), 0, NUM_TEAMS, dtype=jnp.int32)
    away_idx = jax.random.randint(k2, (BATCH,), 0, NUM_TEAMS, dtype=jnp.int32)
    home_idx = jax.random.randint(k1, (BATCH,), 0, NUM_TEAMS, dtype=jnp.int32)
    X = jax.random.normal(k3, (BATCH, NUM_FEATURES), dtype=jnp.float32)
    # learned parameters (original inits to zeros; use small random values so output is nontrivial)
    strengths = jax.random.normal(k4, (NUM_TEAMS,), dtype=jnp.float32) * 0.1
    beta = jax.random.normal(k5, (NUM_FEATURES,), dtype=jnp.float32) * 0.1
    mu = jax.random.normal(k6, (1,), dtype=jnp.float32) * 0.1
    return {"home_idx": home_idx, "away_idx": away_idx, "X": X, "strengths": strengths, "beta": beta, "mu": mu}

def reference(home_idx, away_idx, X, strengths, beta, mu):
    s_home = jnp.take(strengths, home_idx, axis=0)
    s_away = jnp.take(strengths, away_idx, axis=0)
    lin = mu + (s_home - s_away) + X @ beta
    return lin

if __name__ == "__main__":
    import jax
    _d = setup_inputs()
    print(jax.jit(kernel)(*tuple(_d.values())))

</pallas_src>

<mosaic_0001>
#map = affine_map<(d0, d1) -> (0)>
module attributes {stable_mosaic.version = 14 : i64} {
  func.func @k(%arg0: i32, %arg1: i32, %arg2: memref<16384xi32, #tpu.memory_space<hbm>>, %arg3: memref<16384xi32, #tpu.memory_space<hbm>>, %arg4: memref<100000xf32, #tpu.memory_space<hbm>>, %arg5: memref<16384xf32, #tpu.memory_space<hbm>>, %arg6: memref<1024xi32, #tpu.memory_space<vmem>>, %arg7: memref<1024xf32, #tpu.memory_space<vmem>>, %arg8: memref<!tpu.dma_semaphore, #tpu.memory_space<semaphore_mem>>, %arg9: memref<!tpu.dma_semaphore, #tpu.memory_space<semaphore_mem>>, %arg10: memref<!tpu.dma_semaphore, #tpu.memory_space<semaphore_mem>>, %arg11: memref<!tpu.dma_semaphore, #tpu.memory_space<semaphore_mem>>, %arg12: memref<!tpu.dma_semaphore, #tpu.memory_space<semaphore_mem>>, %arg13: memref<!tpu.dma_semaphore, #tpu.memory_space<semaphore_mem>>, %arg14: memref<!tpu.dma_semaphore, #tpu.memory_space<semaphore_mem>>, %arg15: memref<!tpu.dma_semaphore, #tpu.memory_space<semaphore_mem>>, %arg16: memref<!tpu.dma_semaphore, #tpu.memory_space<semaphore_mem>>, %arg17: memref<!tpu.dma_semaphore, #tpu.memory_space<semaphore_mem>>) attributes {dimension_semantics = [#tpu.dimension_semantics<core_parallel>, #tpu.dimension_semantics<subcore_parallel>], iteration_bounds = array<i64: 2, 16>, scalar_prefetch = 0 : i64, scratch_operands = 12 : i64, tpu.core_type = #tpu.core_type<sc_vector_subcore>, window_params = [{transform_indices = #map}, {transform_indices = #map}, {transform_indices = #map}, {transform_indices = #map}]} {
    %mul3A = arith.constant 2 : i32
    %mul3A_0 = arith.muli %arg1, %mul3A : i32
    %add3A = arith.addi %mul3A_0, %arg0 : i32
    %mul3A_1 = arith.constant 512 : i32
    %mul3A_2 = arith.muli %add3A, %mul3A_1 : i32
    %dma_start3A = arith.constant 0 : i32
    %dma_start3A_3 = tpu.memref_slice %arg6[%dma_start3A] : memref<1024xi32, #tpu.memory_space<vmem>> -> memref<256xi32, #tpu.memory_space<vmem>>
    %dma_start3A_4 = tpu.memref_slice %arg2[%mul3A_2] : memref<16384xi32, #tpu.memory_space<hbm>> -> memref<256xi32, #tpu.memory_space<hbm>>
    %dma_start3A_5 = arith.constant 0 : i32
    %dma_start3A_6 = tpu.memref_slice %arg6[%dma_start3A_5] : memref<1024xi32, #tpu.memory_space<vmem>> -> memref<256xi32, #tpu.memory_space<vmem>>
    %dma_start3A_7 = tpu.memref_slice %arg2[%mul3A_2] : memref<16384xi32, #tpu.memory_space<hbm>> -> memref<256xi32, #tpu.memory_space<hbm>>
    tpu.enqueue_dma source(%dma_start3A_7 : memref<256xi32, #tpu.memory_space<hbm>>) target(%dma_start3A_6 : memref<256xi32, #tpu.memory_space<vmem>>) target_semaphore(%arg8 : memref<!tpu.dma_semaphore, #tpu.memory_space<semaphore_mem>>)
    %dma_start3A_8 = arith.constant 512 : i32
    %dma_start3A_9 = tpu.memref_slice %arg6[%dma_start3A_8] : memref<1024xi32, #tpu.memory_space<vmem>> -> memref<256xi32, #tpu.memory_space<vmem>>
    %dma_start3A_10 = tpu.memref_slice %arg3[%mul3A_2] : memref<16384xi32, #tpu.memory_space<hbm>> -> memref<256xi32, #tpu.memory_space<hbm>>
    %dma_start3A_11 = arith.constant 512 : i32
    %dma_start3A_12 = tpu.memref_slice %arg6[%dma_start3A_11] : memref<1024xi32, #tpu.memory_space<vmem>> -> memref<256xi32, #tpu.memory_space<vmem>>
    %dma_start3A_13 = tpu.memref_slice %arg3[%mul3A_2] : memref<16384xi32, #tpu.memory_space<hbm>> -> memref<256xi32, #tpu.memory_space<hbm>>
    tpu.enqueue_dma source(%dma_start3A_13 : memref<256xi32, #tpu.memory_space<hbm>>) target(%dma_start3A_12 : memref<256xi32, #tpu.memory_space<vmem>>) target_semaphore(%arg9 : memref<!tpu.dma_semaphore, #tpu.memory_space<semaphore_mem>>)
    %add3A_14 = arith.constant 256 : i32
    %add3A_15 = arith.addi %mul3A_2, %add3A_14 : i32
    %dma_start3A_16 = arith.constant 256 : i32
    %dma_start3A_17 = tpu.memref_slice %arg6[%dma_start3A_16] : memref<1024xi32, #tpu.memory_space<vmem>> -> memref<256xi32, #tpu.memory_space<vmem>>
    %dma_start3A_18 = tpu.memref_slice %arg2[%add3A_15] : memref<16384xi32, #tpu.memory_space<hbm>> -> memref<256xi32, #tpu.memory_space<hbm>>
    %dma_start3A_19 = arith.constant 256 : i32
    %dma_start3A_20 = tpu.memref_slice %arg6[%dma_start3A_19] : memref<1024xi32, #tpu.memory_space<vmem>> -> memref<256xi32, #tpu.memory_space<vmem>>
    %dma_start3A_21 = tpu.memref_slice %arg2[%add3A_15] : memref<16384xi32, #tpu.memory_space<hbm>> -> memref<256xi32, #tpu.memory_space<hbm>>
    tpu.enqueue_dma source(%dma_start3A_21 : memref<256xi32, #tpu.memory_space<hbm>>) target(%dma_start3A_20 : memref<256xi32, #tpu.memory_space<vmem>>) target_semaphore(%arg10 : memref<!tpu.dma_semaphore, #tpu.memory_space<semaphore_mem>>)
    %add3A_22 = arith.constant 256 : i32
    %add3A_23 = arith.addi %mul3A_2, %add3A_22 : i32
    %dma_start3A_24 = arith.constant 768 : i32
    %dma_start3A_25 = tpu.memref_slice %arg6[%dma_start3A_24] : memref<1024xi32, #tpu.memory_space<vmem>> -> memref<256xi32, #tpu.memory_space<vmem>>
    %dma_start3A_26 = tpu.memref_slice %arg3[%add3A_23] : memref<16384xi32, #tpu.memory_space<hbm>> -> memref<256xi32, #tpu.memory_space<hbm>>
    %dma_start3A_27 = arith.constant 768 : i32
    %dma_start3A_28 = tpu.memref_slice %arg6[%dma_start3A_27] : memref<1024xi32, #tpu.memory_space<vmem>> -> memref<256xi32, #tpu.memory_space<vmem>>
    %dma_start3A_29 = tpu.memref_slice %arg3[%add3A_23] : memref<16384xi32, #tpu.memory_space<hbm>> -> memref<256xi32, #tpu.memory_space<hbm>>
    tpu.enqueue_dma source(%dma_start3A_29 : memref<256xi32, #tpu.memory_space<hbm>>) target(%dma_start3A_28 : memref<256xi32, #tpu.memory_space<vmem>>) target_semaphore(%arg11 : memref<!tpu.dma_semaphore, #tpu.memory_space<semaphore_mem>>)
    %dma_wait3A = arith.constant 0 : i32
    %dma_wait3A_30 = tpu.memref_slice %arg6[%dma_wait3A] : memref<1024xi32, #tpu.memory_space<vmem>> -> memref<256xi32, #tpu.memory_space<vmem>>
    %dma_wait3A_31 = tpu.memref_slice %arg2[%mul3A_2] : memref<16384xi32, #tpu.memory_space<hbm>> -> memref<256xi32, #tpu.memory_space<hbm>>
    %dma_wait3A_32 = arith.constant 0 : i32
    %dma_wait3A_33 = tpu.memref_slice %arg6[%dma_wait3A_32] : memref<1024xi32, #tpu.memory_space<vmem>> -> memref<256xi32, #tpu.memory_space<vmem>>
    %dma_wait3A_34 = tpu.memref_slice %arg2[%mul3A_2] : memref<16384xi32, #tpu.memory_space<hbm>> -> memref<256xi32, #tpu.memory_space<hbm>>
    tpu.wait_dma2 semaphore(%arg8 : memref<!tpu.dma_semaphore, #tpu.memory_space<semaphore_mem>>) src(%dma_wait3A_34 : memref<256xi32, #tpu.memory_space<hbm>>) dst(%dma_wait3A_33 : memref<256xi32, #tpu.memory_space<vmem>>)
    %dma_start3A_35 = arith.constant 0 : i32
    %dma_start3A_36 = tpu.memref_slice %arg7[%dma_start3A_35] : memref<1024xf32, #tpu.memory_space<vmem>> -> memref<256xf32, #tpu.memory_space<vmem>>
    %dma_start3A_37 = arith.constant 0 : i32
    %dma_start3A_38 = tpu.memref_slice %arg6[%dma_start3A_37] : memref<1024xi32, #tpu.memory_space<vmem>> -> memref<256xi32, #tpu.memory_space<vmem>>
    %dma_start3A_39 = arith.constant 0 : i32
    %dma_start3A_40 = tpu.memref_slice %arg4[%dma_start3A_39] : memref<100000xf32, #tpu.memory_space<hbm>> -> memref<100000xf32, #tpu.memory_space<hbm>>
    tpu.enqueue_indirect_dma source(%dma_start3A_40 : memref<100000xf32, #tpu.memory_space<hbm>>) target(%dma_start3A_36 : memref<256xf32, #tpu.memory_space<vmem>>) offsets(%dma_start3A_38 : memref<256xi32, #tpu.memory_space<vmem>>) semaphore(%arg12 : memref<!tpu.dma_semaphore, #tpu.memory_space<semaphore_mem>>)
    %dma_wait3A_41 = arith.constant 512 : i32
    %dma_wait3A_42 = tpu.memref_slice %arg6[%dma_wait3A_41] : memref<1024xi32, #tpu.memory_space<vmem>> -> memref<256xi32, #tpu.memory_space<vmem>>
    %dma_wait3A_43 = tpu.memref_slice %arg3[%mul3A_2] : memref<16384xi32, #tpu.memory_space<hbm>> -> memref<256xi32, #tpu.memory_space<hbm>>
    %dma_wait3A_44 = arith.constant 512 : i32
    %dma_wait3A_45 = tpu.memref_slice %arg6[%dma_wait3A_44] : memref<1024xi32, #tpu.memory_space<vmem>> -> memref<256xi32, #tpu.memory_space<vmem>>
    %dma_wait3A_46 = tpu.memref_slice %arg3[%mul3A_2] : memref<16384xi32, #tpu.memory_space<hbm>> -> memref<256xi32, #tpu.memory_space<hbm>>
    tpu.wait_dma2 semaphore(%arg9 : memref<!tpu.dma_semaphore, #tpu.memory_space<semaphore_mem>>) src(%dma_wait3A_46 : memref<256xi32, #tpu.memory_space<hbm>>) dst(%dma_wait3A_45 : memref<256xi32, #tpu.memory_space<vmem>>)
    %dma_start3A_47 = arith.constant 512 : i32
    %dma_start3A_48 = tpu.memref_slice %arg7[%dma_start3A_47] : memref<1024xf32, #tpu.memory_space<vmem>> -> memref<256xf32, #tpu.memory_space<vmem>>
    %dma_start3A_49 = arith.constant 512 : i32
    %dma_start3A_50 = tpu.memref_slice %arg6[%dma_start3A_49] : memref<1024xi32, #tpu.memory_space<vmem>> -> memref<256xi32, #tpu.memory_space<vmem>>
    %dma_start3A_51 = arith.constant 0 : i32
    %dma_start3A_52 = tpu.memref_slice %arg4[%dma_start3A_51] : memref<100000xf32, #tpu.memory_space<hbm>> -> memref<100000xf32, #tpu.memory_space<hbm>>
    tpu.enqueue_indirect_dma source(%dma_start3A_52 : memref<100000xf32, #tpu.memory_space<hbm>>) target(%dma_start3A_48 : memref<256xf32, #tpu.memory_space<vmem>>) offsets(%dma_start3A_50 : memref<256xi32, #tpu.memory_space<vmem>>) semaphore(%arg13 : memref<!tpu.dma_semaphore, #tpu.memory_space<semaphore_mem>>)
    %dma_wait3A_53 = arith.constant 256 : i32
    %dma_wait3A_54 = tpu.memref_slice %arg6[%dma_wait3A_53] : memref<1024xi32, #tpu.memory_space<vmem>> -> memref<256xi32, #tpu.memory_space<vmem>>
    %dma_wait3A_55 = tpu.memref_slice %arg2[%add3A_15] : memref<16384xi32, #tpu.memory_space<hbm>> -> memref<256xi32, #tpu.memory_space<hbm>>
    %dma_wait3A_56 = arith.constant 256 : i32
    %dma_wait3A_57 = tpu.memref_slice %arg6[%dma_wait3A_56] : memref<1024xi32, #tpu.memory_space<vmem>> -> memref<256xi32, #tpu.memory_space<vmem>>
    %dma_wait3A_58 = tpu.memref_slice %arg2[%add3A_15] : memref<16384xi32, #tpu.memory_space<hbm>> -> memref<256xi32, #tpu.memory_space<hbm>>
    tpu.wait_dma2 semaphore(%arg10 : memref<!tpu.dma_semaphore, #tpu.memory_space<semaphore_mem>>) src(%dma_wait3A_58 : memref<256xi32, #tpu.memory_space<hbm>>) dst(%dma_wait3A_57 : memref<256xi32, #tpu.memory_space<vmem>>)
    %dma_start3A_59 = arith.constant 256 : i32
    %dma_start3A_60 = tpu.memref_slice %arg7[%dma_start3A_59] : memref<1024xf32, #tpu.memory_space<vmem>> -> memref<256xf32, #tpu.memory_space<vmem>>
    %dma_start3A_61 = arith.constant 256 : i32
    %dma_start3A_62 = tpu.memref_slice %arg6[%dma_start3A_61] : memref<1024xi32, #tpu.memory_space<vmem>> -> memref<256xi32, #tpu.memory_space<vmem>>
    %dma_start3A_63 = arith.constant 0 : i32
    %dma_start3A_64 = tpu.memref_slice %arg4[%dma_start3A_63] : memref<100000xf32, #tpu.memory_space<hbm>> -> memref<100000xf32, #tpu.memory_space<hbm>>
    tpu.enqueue_indirect_dma source(%dma_start3A_64 : memref<100000xf32, #tpu.memory_space<hbm>>) target(%dma_start3A_60 : memref<256xf32, #tpu.memory_space<vmem>>) offsets(%dma_start3A_62 : memref<256xi32, #tpu.memory_space<vmem>>) semaphore(%arg14 : memref<!tpu.dma_semaphore, #tpu.memory_space<semaphore_mem>>)
    %dma_wait3A_65 = arith.constant 768 : i32
    %dma_wait3A_66 = tpu.memref_slice %arg6[%dma_wait3A_65] : memref<1024xi32, #tpu.memory_space<vmem>> -> memref<256xi32, #tpu.memory_space<vmem>>
    %dma_wait3A_67 = tpu.memref_slice %arg3[%add3A_23] : memref<16384xi32, #tpu.memory_space<hbm>> -> memref<256xi32, #tpu.memory_space<hbm>>
    %dma_wait3A_68 = arith.constant 768 : i32
    %dma_wait3A_69 = tpu.memref_slice %arg6[%dma_wait3A_68] : memref<1024xi32, #tpu.memory_space<vmem>> -> memref<256xi32, #tpu.memory_space<vmem>>
    %dma_wait3A_70 = tpu.memref_slice %arg3[%add3A_23] : memref<16384xi32, #tpu.memory_space<hbm>> -> memref<256xi32, #tpu.memory_space<hbm>>
    tpu.wait_dma2 semaphore(%arg11 : memref<!tpu.dma_semaphore, #tpu.memory_space<semaphore_mem>>) src(%dma_wait3A_70 : memref<256xi32, #tpu.memory_space<hbm>>) dst(%dma_wait3A_69 : memref<256xi32, #tpu.memory_space<vmem>>)
    %dma_start3A_71 = arith.constant 768 : i32
    %dma_start3A_72 = tpu.memref_slice %arg7[%dma_start3A_71] : memref<1024xf32, #tpu.memory_space<vmem>> -> memref<256xf32, #tpu.memory_space<vmem>>
    %dma_start3A_73 = arith.constant 768 : i32
    %dma_start3A_74 = tpu.memref_slice %arg6[%dma_start3A_73] : memref<1024xi32, #tpu.memory_space<vmem>> -> memref<256xi32, #tpu.memory_space<vmem>>
    %dma_start3A_75 = arith.constant 0 : i32
    %dma_start3A_76 = tpu.memref_slice %arg4[%dma_start3A_75] : memref<100000xf32, #tpu.memory_space<hbm>> -> memref<100000xf32, #tpu.memory_space<hbm>>
    tpu.enqueue_indirect_dma source(%dma_start3A_76 : memref<100000xf32, #tpu.memory_space<hbm>>) target(%dma_start3A_72 : memref<256xf32, #tpu.memory_space<vmem>>) offsets(%dma_start3A_74 : memref<256xi32, #tpu.memory_space<vmem>>) semaphore(%arg15 : memref<!tpu.dma_semaphore, #tpu.memory_space<semaphore_mem>>)
    %dma_wait3A_77 = arith.constant 0 : i32
    %dma_wait3A_78 = tpu.memref_slice %arg7[%dma_wait3A_77] : memref<1024xf32, #tpu.memory_space<vmem>> -> memref<256xf32, #tpu.memory_space<vmem>>
    %dma_wait3A_79 = arith.constant 0 : i32
    %dma_wait3A_80 = tpu.memref_slice %arg6[%dma_wait3A_79] : memref<1024xi32, #tpu.memory_space<vmem>> -> memref<256xi32, #tpu.memory_space<vmem>>
    %dma_wait3A_81 = arith.constant 0 : i32
    %dma_wait3A_82 = tpu.memref_slice %arg4[%dma_wait3A_81] : memref<100000xf32, #tpu.memory_space<hbm>> -> memref<100000xf32, #tpu.memory_space<hbm>>
    tpu.wait_indirect_dma semaphore(%arg12 : memref<!tpu.dma_semaphore, #tpu.memory_space<semaphore_mem>>) src(%dma_wait3A_82 : memref<100000xf32, #tpu.memory_space<hbm>>) dst(%dma_wait3A_78 : memref<256xf32, #tpu.memory_space<vmem>>)
    %dma_wait3A_83 = arith.constant 512 : i32
    %dma_wait3A_84 = tpu.memref_slice %arg7[%dma_wait3A_83] : memref<1024xf32, #tpu.memory_space<vmem>> -> memref<256xf32, #tpu.memory_space<vmem>>
    %dma_wait3A_85 = arith.constant 512 : i32
    %dma_wait3A_86 = tpu.memref_slice %arg6[%dma_wait3A_85] : memref<1024xi32, #tpu.memory_space<vmem>> -> memref<256xi32, #tpu.memory_space<vmem>>
    %dma_wait3A_87 = arith.constant 0 : i32
    %dma_wait3A_88 = tpu.memref_slice %arg4[%dma_wait3A_87] : memref<100000xf32, #tpu.memory_space<hbm>> -> memref<100000xf32, #tpu.memory_space<hbm>>
    tpu.wait_indirect_dma semaphore(%arg13 : memref<!tpu.dma_semaphore, #tpu.memory_space<semaphore_mem>>) src(%dma_wait3A_88 : memref<100000xf32, #tpu.memory_space<hbm>>) dst(%dma_wait3A_84 : memref<256xf32, #tpu.memory_space<vmem>>)
    %get3A = arith.constant 0 : index
    %get3A_89 = tpu.vector_load %arg7[%get3A] {strides = array<i32>} : memref<1024xf32, #tpu.memory_space<vmem>>, vector<16xf32>,
    %get3A_90 = vector.shape_cast %get3A_89 : vector<16xf32> to vector<16xf32>
    %get3A_91 = arith.constant 512 : index
    %get3A_92 = tpu.vector_load %arg7[%get3A_91] {strides = array<i32>} : memref<1024xf32, #tpu.memory_space<vmem>>, vector<16xf32>,
    %get3A_93 = vector.shape_cast %get3A_92 : vector<16xf32> to vector<16xf32>
    %sub3A = arith.subf %get3A_90, %get3A_93 : vector<16xf32>
    %swap3A = arith.constant 0 : index
    %swap3A_94 = tpu.vector_load %arg7[%swap3A] {strides = array<i32>} : memref<1024xf32, #tpu.memory_space<vmem>>, vector<16xf32>,
    %swap3A_95 = vector.shape_cast %swap3A_94 : vector<16xf32> to vector<16xf32>
    %swap3A_96 = vector.shape_cast %sub3A : vector<16xf32> to vector<16xf32>
    tpu.vector_store %arg7[%swap3A], %swap3A_96 {strides = array<i32>} : memref<1024xf32, #tpu.memory_space<vmem>>, vector<16xf32>,
    %get3A_97 = arith.constant 16 : index
    %get3A_98 = tpu.vector_load %arg7[%get3A_97] {strides = array<i32>} : memref<1024xf32, #tpu.memory_space<vmem>>, vector<16xf32>,
    %get3A_99 = vector.shape_cast %get3A_98 : vector<16xf32> to vector<16xf32>
    %get3A_100 = arith.constant 528 : index
    %get3A_101 = tpu.vector_load %arg7[%get3A_100] {strides = array<i32>} : memref<1024xf32, #tpu.memory_space<vmem>>, vector<16xf32>,
    %get3A_102 = vector.shape_cast %get3A_101 : vector<16xf32> to vector<16xf32>
    %sub3A_103 = arith.subf %get3A_99, %get3A_102 : vector<16xf32>
    %swap3A_104 = arith.constant 16 : index
    %swap3A_105 = tpu.vector_load %arg7[%swap3A_104] {strides = array<i32>} : memref<1024xf32, #tpu.memory_space<vmem>>, vector<16xf32>,
    %swap3A_106 = vector.shape_cast %swap3A_105 : vector<16xf32> to vector<16xf32>
    %swap3A_107 = vector.shape_cast %sub3A_103 : vector<16xf32> to vector<16xf32>
    tpu.vector_store %arg7[%swap3A_104], %swap3A_107 {strides = array<i32>} : memref<1024xf32, #tpu.memory_space<vmem>>, vector<16xf32>,
    %get3A_108 = arith.constant 32 : index
    %get3A_109 = tpu.vector_load %arg7[%get3A_108] {strides = array<i32>} : memref<1024xf32, #tpu.memory_space<vmem>>, vector<16xf32>,
    %get3A_110 = vector.shape_cast %get3A_109 : vector<16xf32> to vector<16xf32>
    %get3A_111 = arith.constant 544 : index
    %get3A_112 = tpu.vector_load %arg7[%get3A_111] {strides = array<i32>} : memref<1024xf32, #tpu.memory_space<vmem>>, vector<16xf32>,
    %get3A_113 = vector.shape_cast %get3A_112 : vector<16xf32> to vector<16xf32>
    %sub3A_114 = arith.subf %get3A_110, %get3A_113 : vector<16xf32>
    %swap3A_115 = arith.constant 32 : index
    %swap3A_116 = tpu.vector_load %arg7[%swap3A_115] {strides = array<i32>} : memref<1024xf32, #tpu.memory_space<vmem>>, vector<16xf32>,
    %swap3A_117 = vector.shape_cast %swap3A_116 : vector<16xf32> to vector<16xf32>
    %swap3A_118 = vector.shape_cast %sub3A_114 : vector<16xf32> to vector<16xf32>
    tpu.vector_store %arg7[%swap3A_115], %swap3A_118 {strides = array<i32>} : memref<1024xf32, #tpu.memory_space<vmem>>, vector<16xf32>,
    %get3A_119 = arith.constant 48 : index
    %get3A_120 = tpu.vector_load %arg7[%get3A_119] {strides = array<i32>} : memref<1024xf32, #tpu.memory_space<vmem>>, vector<16xf32>,
    %get3A_121 = vector.shape_cast %get3A_120 : vector<16xf32> to vector<16xf32>
    %get3A_122 = arith.constant 560 : index
    %get3A_123 = tpu.vector_load %arg7[%get3A_122] {strides = array<i32>} : memref<1024xf32, #tpu.memory_space<vmem>>, vector<16xf32>,
    %get3A_124 = vector.shape_cast %get3A_123 : vector<16xf32> to vector<16xf32>
    %sub3A_125 = arith.subf %get3A_121, %get3A_124 : vector<16xf32>
    %swap3A_126 = arith.constant 48 : index
    %swap3A_127 = tpu.vector_load %arg7[%swap3A_126] {strides = array<i32>} : memref<1024xf32, #tpu.memory_space<vmem>>, vector<16xf32>,
    %swap3A_128 = vector.shape_cast %swap3A_127 : vector<16xf32> to vector<16xf32>
    %swap3A_129 = vector.shape_cast %sub3A_125 : vector<16xf32> to vector<16xf32>
    tpu.vector_store %arg7[%swap3A_126], %swap3A_129 {strides = array<i32>} : memref<1024xf32, #tpu.memory_space<vmem>>, vector<16xf32>,
    %get3A_130 = arith.constant 64 : index
    %get3A_131 = tpu.vector_load %arg7[%get3A_130] {strides = array<i32>} : memref<1024xf32, #tpu.memory_space<vmem>>, vector<16xf32>,
    %get3A_132 = vector.shape_cast %get3A_131 : vector<16xf32> to vector<16xf32>
    %get3A_133 = arith.constant 576 : index
    %get3A_134 = tpu.vector_load %arg7[%get3A_133] {strides = array<i32>} : memref<1024xf32, #tpu.memory_space<vmem>>, vector<16xf32>,
    %get3A_135 = vector.shape_cast %get3A_134 : vector<16xf32> to vector<16xf32>
    %sub3A_136 = arith.subf %get3A_132, %get3A_135 : vector<16xf32>
    %swap3A_137 = arith.constant 64 : index
    %swap3A_138 = tpu.vector_load %arg7[%swap3A_137] {strides = array<i32>} : memref<1024xf32, #tpu.memory_space<vmem>>, vector<16xf32>,
    %swap3A_139 = vector.shape_cast %swap3A_138 : vector<16xf32> to vector<16xf32>
    %swap3A_140 = vector.shape_cast %sub3A_136 : vector<16xf32> to vector<16xf32>
    tpu.vector_store %arg7[%swap3A_137], %swap3A_140 {strides = array<i32>} : memref<1024xf32, #tpu.memory_space<vmem>>, vector<16xf32>,
    %get3A_141 = arith.constant 80 : index
    %get3A_142 = tpu.vector_load %arg7[%get3A_141] {strides = array<i32>} : memref<1024xf32, #tpu.memory_space<vmem>>, vector<16xf32>,
    %get3A_143 = vector.shape_cast %get3A_142 : vector<16xf32> to vector<16xf32>
    %get3A_144 = arith.constant 592 : index
    %get3A_145 = tpu.vector_load %arg7[%get3A_144] {strides = array<i32>} : memref<1024xf32, #tpu.memory_space<vmem>>, vector<16xf32>,
    %get3A_146 = vector.shape_cast %get3A_145 : vector<16xf32> to vector<16xf32>
    %sub3A_147 = arith.subf %get3A_143, %get3A_146 : vector<16xf32>
    %swap3A_148 = arith.constant 80 : index
    %swap3A_149 = tpu.vector_load %arg7[%swap3A_148] {strides = array<i32>} : memref<1024xf32, #tpu.memory_space<vmem>>, vector<16xf32>,
    %swap3A_150 = vector.shape_cast %swap3A_149 : vector<16xf32> to vector<16xf32>
    %swap3A_151 = vector.shape_cast %sub3A_147 : vector<16xf32> to vector<16xf32>
    tpu.vector_store %arg7[%swap3A_148], %swap3A_151 {strides = array<i32>} : memref<1024xf32, #tpu.memory_space<vmem>>, vector<16xf32>,
    %get3A_152 = arith.constant 96 : index
    %get3A_153 = tpu.vector_load %arg7[%get3A_152] {strides = array<i32>} : memref<1024xf32, #tpu.memory_space<vmem>>, vector<16xf32>,
    %get3A_154 = vector.shape_cast %get3A_153 : vector<16xf32> to vector<16xf32>
    %get3A_155 = arith.constant 608 : index
    %get3A_156 = tpu.vector_load %arg7[%get3A_155] {strides = array<i32>} : memref<1024xf32, #tpu.memory_space<vmem>>, vector<16xf32>,
    %get3A_157 = vector.shape_cast %get3A_156 : vector<16xf32> to vector<16xf32>
    %sub3A_158 = arith.subf %get3A_154, %get3A_157 : vector<16xf32>
    %swap3A_159 = arith.constant 96 : index
    %swap3A_160 = tpu.vector_load %arg7[%swap3A_159] {strides = array<i32>} : memref<1024xf32, #tpu.memory_space<vmem>>, vector<16xf32>,
    %swap3A_161 = vector.shape_cast %swap3A_160 : vector<16xf32> to vector<16xf32>
    %swap3A_162 = vector.shape_cast %sub3A_158 : vector<16xf32> to vector<16xf32>
    tpu.vector_store %arg7[%swap3A_159], %swap3A_162 {strides = array<i32>} : memref<1024xf32, #tpu.memory_space<vmem>>, vector<16xf32>,
    %get3A_163 = arith.constant 112 : index
    %get3A_164 = tpu.vector_load %arg7[%get3A_163] {strides = array<i32>} : memref<1024xf32, #tpu.memory_space<vmem>>, vector<16xf32>,
    %get3A_165 = vector.shape_cast %get3A_164 : vector<16xf32> to vector<16xf32>
    %get3A_166 = arith.constant 624 : index
    %get3A_167 = tpu.vector_load %arg7[%get3A_166] {strides = array<i32>} : memref<1024xf32, #tpu.memory_space<vmem>>, vector<16xf32>,
    %get3A_168 = vector.shape_cast %get3A_167 : vector<16xf32> to vector<16xf32>
    %sub3A_169 = arith.subf %get3A_165, %get3A_168 : vector<16xf32>
    %swap3A_170 = arith.constant 112 : index
    %swap3A_171 = tpu.vector_load %arg7[%swap3A_170] {strides = array<i32>} : memref<1024xf32, #tpu.memory_space<vmem>>, vector<16xf32>,
    %swap3A_172 = vector.shape_cast %swap3A_171 : vector<16xf32> to vector<16xf32>
    %swap3A_173 = vector.shape_cast %sub3A_169 : vector<16xf32> to vector<16xf32>
    tpu.vector_store %arg7[%swap3A_170], %swap3A_173 {strides = array<i32>} : memref<1024xf32, #tpu.memory_space<vmem>>, vector<16xf32>,
    %get3A_174 = arith.constant 128 : index
    %get3A_175 = tpu.vector_load %arg7[%get3A_174] {strides = array<i32>} : memref<1024xf32, #tpu.memory_space<vmem>>, vector<16xf32>,
    %get3A_176 = vector.shape_cast %get3A_175 : vector<16xf32> to vector<16xf32>
    %get3A_177 = arith.constant 640 : index
    %get3A_178 = tpu.vector_load %arg7[%get3A_177] {strides = array<i32>} : memref<1024xf32, #tpu.memory_space<vmem>>, vector<16xf32>,
    %get3A_179 = vector.shape_cast %get3A_178 : vector<16xf32> to vector<16xf32>
    %sub3A_180 = arith.subf %get3A_176, %get3A_179 : vector<16xf32>
    %swap3A_181 = arith.constant 128 : index
    %swap3A_182 = tpu.vector_load %arg7[%swap3A_181] {strides = array<i32>} : memref<1024xf32, #tpu.memory_space<vmem>>, vector<16xf32>,
    %swap3A_183 = vector.shape_cast %swap3A_182 : vector<16xf32> to vector<16xf32>
    %swap3A_184 = vector.shape_cast %sub3A_180 : vector<16xf32> to vector<16xf32>
    tpu.vector_store %arg7[%swap3A_181], %swap3A_184 {strides = array<i32>} : memref<1024xf32, #tpu.memory_space<vmem>>, vector<16xf32>,
    %get3A_185 = arith.constant 144 : index
    %get3A_186 = tpu.vector_load %arg7[%get3A_185] {strides = array<i32>} : memref<1024xf32, #tpu.memory_space<vmem>>, vector<16xf32>,
    %get3A_187 = vector.shape_cast %get3A_186 : vector<16xf32> to vector<16xf32>
    %get3A_188 = arith.constant 656 : index
    %get3A_189 = tpu.vector_load %arg7[%get3A_188] {strides = array<i32>} : memref<1024xf32, #tpu.memory_space<vmem>>, vector<16xf32>,
    %get3A_190 = vector.shape_cast %get3A_189 : vector<16xf32> to vector<16xf32>
    %sub3A_191 = arith.subf %get3A_187, %get3A_190 : vector<16xf32>
    %swap3A_192 = arith.constant 144 : index
    %swap3A_193 = tpu.vector_load %arg7[%swap3A_192] {strides = array<i32>} : memref<1024xf32, #tpu.memory_space<vmem>>, vector<16xf32>,
    %swap3A_194 = vector.shape_cast %swap3A_193 : vector<16xf32> to vector<16xf32>
    %swap3A_195 = vector.shape_cast %sub3A_191 : vector<16xf32> to vector<16xf32>
    tpu.vector_store %arg7[%swap3A_192], %swap3A_195 {strides = array<i32>} : memref<1024xf32, #tpu.memory_space<vmem>>, vector<16xf32>,
    %get3A_196 = arith.constant 160 : index
    %get3A_197 = tpu.vector_load %arg7[%get3A_196] {strides = array<i32>} : memref<1024xf32, #tpu.memory_space<vmem>>, vector<16xf32>,
    %get3A_198 = vector.shape_cast %get3A_197 : vector<16xf32> to vector<16xf32>
    %get3A_199 = arith.constant 672 : index
    %get3A_200 = tpu.vector_load %arg7[%get3A_199] {strides = array<i32>} : memref<1024xf32, #tpu.memory_space<vmem>>, vector<16xf32>,
    %get3A_201 = vector.shape_cast %get3A_200 : vector<16xf32> to vector<16xf32>
    %sub3A_202 = arith.subf %get3A_198, %get3A_201 : vector<16xf32>
    %swap3A_203 = arith.constant 160 : index
    %swap3A_204 = tpu.vector_load %arg7[%swap3A_203] {strides = array<i32>} : memref<1024xf32, #tpu.memory_space<vmem>>, vector<16xf32>,
    %swap3A_205 = vector.shape_cast %swap3A_204 : vector<16xf32> to vector<16xf32>
    %swap3A_206 = vector.shape_cast %sub3A_202 : vector<16xf32> to vector<16xf32>
    tpu.vector_store %arg7[%swap3A_203], %swap3A_206 {strides = array<i32>} : memref<1024xf32, #tpu.memory_space<vmem>>, vector<16xf32>,
    %get3A_207 = arith.constant 176 : index
    %get3A_208 = tpu.vector_load %arg7[%get3A_207] {strides = array<i32>} : memref<1024xf32, #tpu.memory_space<vmem>>, vector<16xf32>,
    %get3A_209 = vector.shape_cast %get3A_208 : vector<16xf32> to vector<16xf32>
    %get3A_210 = arith.constant 688 : index
    %get3A_211 = tpu.vector_load %arg7[%get3A_210] {strides = array<i32>} : memref<1024xf32, #tpu.memory_space<vmem>>, vector<16xf32>,
    %get3A_212 = vector.shape_cast %get3A_211 : vector<16xf32> to vector<16xf32>
    %sub3A_213 = arith.subf %get3A_209, %get3A_212 : vector<16xf32>
    %swap3A_214 = arith.constant 176 : index
    %swap3A_215 = tpu.vector_load %arg7[%swap3A_214] {strides = array<i32>} : memref<1024xf32, #tpu.memory_space<vmem>>, vector<16xf32>,
    %swap3A_216 = vector.shape_cast %swap3A_215 : vector<16xf32> to vector<16xf32>
    %swap3A_217 = vector.shape_cast %sub3A_213 : vector<16xf32> to vector<16xf32>
    tpu.vector_store %arg7[%swap3A_214], %swap3A_217 {strides = array<i32>} : memref<1024xf32, #tpu.memory_space<vmem>>, vector<16xf32>,
    %get3A_218 = arith.constant 192 : index
    %get3A_219 = tpu.vector_load %arg7[%get3A_218] {strides = array<i32>} : memref<1024xf32, #tpu.memory_space<vmem>>, vector<16xf32>,
    %get3A_220 = vector.shape_cast %get3A_219 : vector<16xf32> to vector<16xf32>
    %get3A_221 = arith.constant 704 : index
    %get3A_222 = tpu.vector_load %arg7[%get3A_221] {strides = array<i32>} : memref<1024xf32, #tpu.memory_space<vmem>>, vector<16xf32>,
    %get3A_223 = vector.shape_cast %get3A_222 : vector<16xf32> to vector<16xf32>
    %sub3A_224 = arith.subf %get3A_220, %get3A_223 : vector<16xf32>
    %swap3A_225 = arith.constant 192 : index
    %swap3A_226 = tpu.vector_load %arg7[%swap3A_225] {strides = array<i32>} : memref<1024xf32, #tpu.memory_space<vmem>>, vector<16xf32>,
    %swap3A_227 = vector.shape_cast %swap3A_226 : vector<16xf32> to vector<16xf32>
    %swap3A_228 = vector.shape_cast %sub3A_224 : vector<16xf32> to vector<16xf32>
    tpu.vector_store %arg7[%swap3A_225], %swap3A_228 {strides = array<i32>} : memref<1024xf32, #tpu.memory_space<vmem>>, vector<16xf32>,
    %get3A_229 = arith.constant 208 : index
    %get3A_230 = tpu.vector_load %arg7[%get3A_229] {strides = array<i32>} : memref<1024xf32, #tpu.memory_space<vmem>>, vector<16xf32>,
    %get3A_231 = vector.shape_cast %get3A_230 : vector<16xf32> to vector<16xf32>
    %get3A_232 = arith.constant 720 : index
    %get3A_233 = tpu.vector_load %arg7[%get3A_232] {strides = array<i32>} : memref<1024xf32, #tpu.memory_space<vmem>>, vector<16xf32>,
    %get3A_234 = vector.shape_cast %get3A_233 : vector<16xf32> to vector<16xf32>
    %sub3A_235 = arith.subf %get3A_231, %get3A_234 : vector<16xf32>
    %swap3A_236 = arith.constant 208 : index
    %swap3A_237 = tpu.vector_load %arg7[%swap3A_236] {strides = array<i32>} : memref<1024xf32, #tpu.memory_space<vmem>>, vector<16xf32>,
    %swap3A_238 = vector.shape_cast %swap3A_237 : vector<16xf32> to vector<16xf32>
    %swap3A_239 = vector.shape_cast %sub3A_235 : vector<16xf32> to vector<16xf32>
    tpu.vector_store %arg7[%swap3A_236], %swap3A_239 {strides = array<i32>} : memref<1024xf32, #tpu.memory_space<vmem>>, vector<16xf32>,
    %get3A_240 = arith.constant 224 : index
    %get3A_241 = tpu.vector_load %arg7[%get3A_240] {strides = array<i32>} : memref<1024xf32, #tpu.memory_space<vmem>>, vector<16xf32>,
    %get3A_242 = vector.shape_cast %get3A_241 : vector<16xf32> to vector<16xf32>
    %get3A_243 = arith.constant 736 : index
    %get3A_244 = tpu.vector_load %arg7[%get3A_243] {strides = array<i32>} : memref<1024xf32, #tpu.memory_space<vmem>>, vector<16xf32>,
    %get3A_245 = vector.shape_cast %get3A_244 : vector<16xf32> to vector<16xf32>
    %sub3A_246 = arith.subf %get3A_242, %get3A_245 : vector<16xf32>
    %swap3A_247 = arith.constant 224 : index
    %swap3A_248 = tpu.vector_load %arg7[%swap3A_247] {strides = array<i32>} : memref<1024xf32, #tpu.memory_space<vmem>>, vector<16xf32>,
    %swap3A_249 = vector.shape_cast %swap3A_248 : vector<16xf32> to vector<16xf32>
    %swap3A_250 = vector.shape_cast %sub3A_246 : vector<16xf32> to vector<16xf32>
    tpu.vector_store %arg7[%swap3A_247], %swap3A_250 {strides = array<i32>} : memref<1024xf32, #tpu.memory_space<vmem>>, vector<16xf32>,
    %get3A_251 = arith.constant 240 : index
    %get3A_252 = tpu.vector_load %arg7[%get3A_251] {strides = array<i32>} : memref<1024xf32, #tpu.memory_space<vmem>>, vector<16xf32>,
    %get3A_253 = vector.shape_cast %get3A_252 : vector<16xf32> to vector<16xf32>
    %get3A_254 = arith.constant 752 : index
    %get3A_255 = tpu.vector_load %arg7[%get3A_254] {strides = array<i32>} : memref<1024xf32, #tpu.memory_space<vmem>>, vector<16xf32>,
    %get3A_256 = vector.shape_cast %get3A_255 : vector<16xf32> to vector<16xf32>
    %sub3A_257 = arith.subf %get3A_253, %get3A_256 : vector<16xf32>
    %swap3A_258 = arith.constant 240 : index
    %swap3A_259 = tpu.vector_load %arg7[%swap3A_258] {strides = array<i32>} : memref<1024xf32, #tpu.memory_space<vmem>>, vector<16xf32>,
    %swap3A_260 = vector.shape_cast %swap3A_259 : vector<16xf32> to vector<16xf32>
    %swap3A_261 = vector.shape_cast %sub3A_257 : vector<16xf32> to vector<16xf32>
    tpu.vector_store %arg7[%swap3A_258], %swap3A_261 {strides = array<i32>} : memref<1024xf32, #tpu.memory_space<vmem>>, vector<16xf32>,
    %dma_start3A_262 = arith.constant 0 : i32
    %dma_start3A_263 = tpu.memref_slice %arg7[%dma_start3A_262] : memref<1024xf32, #tpu.memory_space<vmem>> -> memref<256xf32, #tpu.memory_space<vmem>>
    %dma_start3A_264 = tpu.memref_slice %arg5[%mul3A_2] : memref<16384xf32, #tpu.memory_space<hbm>> -> memref<256xf32, #tpu.memory_space<hbm>>
    %dma_start3A_265 = tpu.memref_slice %arg5[%mul3A_2] : memref<16384xf32, #tpu.memory_space<hbm>> -> memref<256xf32, #tpu.memory_space<hbm>>
    %dma_start3A_266 = arith.constant 0 : i32
    %dma_start3A_267 = tpu.memref_slice %arg7[%dma_start3A_266] : memref<1024xf32, #tpu.memory_space<vmem>> -> memref<256xf32, #tpu.memory_space<vmem>>
    tpu.enqueue_dma source(%dma_start3A_267 : memref<256xf32, #tpu.memory_space<vmem>>) target(%dma_start3A_265 : memref<256xf32, #tpu.memory_space<hbm>>) target_semaphore(%arg16 : memref<!tpu.dma_semaphore, #tpu.memory_space<semaphore_mem>>)
    %dma_wait3A_268 = arith.constant 256 : i32
    %dma_wait3A_269 = tpu.memref_slice %arg7[%dma_wait3A_268] : memref<1024xf32, #tpu.memory_space<vmem>> -> memref<256xf32, #tpu.memory_space<vmem>>
    %dma_wait3A_270 = arith.constant 256 : i32
    %dma_wait3A_271 = tpu.memref_slice %arg6[%dma_wait3A_270] : memref<1024xi32, #tpu.memory_space<vmem>> -> memref<256xi32, #tpu.memory_space<vmem>>
    %dma_wait3A_272 = arith.constant 0 : i32
    %dma_wait3A_273 = tpu.memref_slice %arg4[%dma_wait3A_272] : memref<100000xf32, #tpu.memory_space<hbm>> -> memref<100000xf32, #tpu.memory_space<hbm>>
    tpu.wait_indirect_dma semaphore(%arg14 : memref<!tpu.dma_semaphore, #tpu.memory_space<semaphore_mem>>) src(%dma_wait3A_273 : memref<100000xf32, #tpu.memory_space<hbm>>) dst(%dma_wait3A_269 : memref<256xf32, #tpu.memory_space<vmem>>)
    %dma_wait3A_274 = arith.constant 768 : i32
    %dma_wait3A_275 = tpu.memref_slice %arg7[%dma_wait3A_274] : memref<1024xf32, #tpu.memory_space<vmem>> -> memref<256xf32, #tpu.memory_space<vmem>>
    %dma_wait3A_276 = arith.constant 768 : i32
    %dma_wait3A_277 = tpu.memref_slice %arg6[%dma_wait3A_276] : memref<1024xi32, #tpu.memory_space<vmem>> -> memref<256xi32, #tpu.memory_space<vmem>>
    %dma_wait3A_278 = arith.constant 0 : i32
    %dma_wait3A_279 = tpu.memref_slice %arg4[%dma_wait3A_278] : memref<100000xf32, #tpu.memory_space<hbm>> -> memref<100000xf32, #tpu.memory_space<hbm>>
    tpu.wait_indirect_dma semaphore(%arg15 : memref<!tpu.dma_semaphore, #tpu.memory_space<semaphore_mem>>) src(%dma_wait3A_279 : memref<100000xf32, #tpu.memory_space<hbm>>) dst(%dma_wait3A_275 : memref<256xf32, #tpu.memory_space<vmem>>)
    %get3A_280 = arith.constant 256 : index
    %get3A_281 = tpu.vector_load %arg7[%get3A_280] {strides = array<i32>} : memref<1024xf32, #tpu.memory_space<vmem>>, vector<16xf32>,
    %get3A_282 = vector.shape_cast %get3A_281 : vector<16xf32> to vector<16xf32>
    %get3A_283 = arith.constant 768 : index
    %get3A_284 = tpu.vector_load %arg7[%get3A_283] {strides = array<i32>} : memref<1024xf32, #tpu.memory_space<vmem>>, vector<16xf32>,
    %get3A_285 = vector.shape_cast %get3A_284 : vector<16xf32> to vector<16xf32>
    %sub3A_286 = arith.subf %get3A_282, %get3A_285 : vector<16xf32>
    %swap3A_287 = arith.constant 256 : index
    %swap3A_288 = tpu.vector_load %arg7[%swap3A_287] {strides = array<i32>} : memref<1024xf32, #tpu.memory_space<vmem>>, vector<16xf32>,
    %swap3A_289 = vector.shape_cast %swap3A_288 : vector<16xf32> to vector<16xf32>
    %swap3A_290 = vector.shape_cast %sub3A_286 : vector<16xf32> to vector<16xf32>
    tpu.vector_store %arg7[%swap3A_287], %swap3A_290 {strides = array<i32>} : memref<1024xf32, #tpu.memory_space<vmem>>, vector<16xf32>,
    %get3A_291 = arith.constant 272 : index
    %get3A_292 = tpu.vector_load %arg7[%get3A_291] {strides = array<i32>} : memref<1024xf32, #tpu.memory_space<vmem>>, vector<16xf32>,
    %get3A_293 = vector.shape_cast %get3A_292 : vector<16xf32> to vector<16xf32>
    %get3A_294 = arith.constant 784 : index
    %get3A_295 = tpu.vector_load %arg7[%get3A_294] {strides = array<i32>} : memref<1024xf32, #tpu.memory_space<vmem>>, vector<16xf32>,
    %get3A_296 = vector.shape_cast %get3A_295 : vector<16xf32> to vector<16xf32>
    %sub3A_297 = arith.subf %get3A_293, %get3A_296 : vector<16xf32>
    %swap3A_298 = arith.constant 272 : index
    %swap3A_299 = tpu.vector_load %arg7[%swap3A_298] {strides = array<i32>} : memref<1024xf32, #tpu.memory_space<vmem>>, vector<16xf32>,
    %swap3A_300 = vector.shape_cast %swap3A_299 : vector<16xf32> to vector<16xf32>
    %swap3A_301 = vector.shape_cast %sub3A_297 : vector<16xf32> to vector<16xf32>
    tpu.vector_store %arg7[%swap3A_298], %swap3A_301 {strides = array<i32>} : memref<1024xf32, #tpu.memory_space<vmem>>, vector<16xf32>,
    %get3A_302 = arith.constant 288 : index
    %get3A_303 = tpu.vector_load %arg7[%get3A_302] {strides = array<i32>} : memref<1024xf32, #tpu.memory_space<vmem>>, vector<16xf32>,
    %get3A_304 = vector.shape_cast %get3A_303 : vector<16xf32> to vector<16xf32>
    %get3A_305 = arith.constant 800 : index
    %get3A_306 = tpu.vector_load %arg7[%get3A_305] {strides = array<i32>} : memref<1024xf32, #tpu.memory_space<vmem>>, vector<16xf32>,
    %get3A_307 = vector.shape_cast %get3A_306 : vector<16xf32> to vector<16xf32>
    %sub3A_308 = arith.subf %get3A_304, %get3A_307 : vector<16xf32>
    %swap3A_309 = arith.constant 288 : index
    %swap3A_310 = tpu.vector_load %arg7[%swap3A_309] {strides = array<i32>} : memref<1024xf32, #tpu.memory_space<vmem>>, vector<16xf32>,
    %swap3A_311 = vector.shape_cast %swap3A_310 : vector<16xf32> to vector<16xf32>
    %swap3A_312 = vector.shape_cast %sub3A_308 : vector<16xf32> to vector<16xf32>
    tpu.vector_store %arg7[%swap3A_309], %swap3A_312 {strides = array<i32>} : memref<1024xf32, #tpu.memory_space<vmem>>, vector<16xf32>,
    %get3A_313 = arith.constant 304 : index
    %get3A_314 = tpu.vector_load %arg7[%get3A_313] {strides = array<i32>} : memref<1024xf32, #tpu.memory_space<vmem>>, vector<16xf32>,
    %get3A_315 = vector.shape_cast %get3A_314 : vector<16xf32> to vector<16xf32>
    %get3A_316 = arith.constant 816 : index
    %get3A_317 = tpu.vector_load %arg7[%get3A_316] {strides = array<i32>} : memref<1024xf32, #tpu.memory_space<vmem>>, vector<16xf32>,
    %get3A_318 = vector.shape_cast %get3A_317 : vector<16xf32> to vector<16xf32>
    %sub3A_319 = arith.subf %get3A_315, %get3A_318 : vector<16xf32>
    %swap3A_320 = arith.constant 304 : index
    %swap3A_321 = tpu.vector_load %arg7[%swap3A_320] {strides = array<i32>} : memref<1024xf32, #tpu.memory_space<vmem>>, vector<16xf32>,
    %swap3A_322 = vector.shape_cast %swap3A_321 : vector<16xf32> to vector<16xf32>
    %swap3A_323 = vector.shape_cast %sub3A_319 : vector<16xf32> to vector<16xf32>
    tpu.vector_store %arg7[%swap3A_320], %swap3A_323 {strides = array<i32>} : memref<1024xf32, #tpu.memory_space<vmem>>, vector<16xf32>,
    %get3A_324 = arith.constant 320 : index
    %get3A_325 = tpu.vector_load %arg7[%get3A_324] {strides = array<i32>} : memref<1024xf32, #tpu.memory_space<vmem>>, vector<16xf32>,
    %get3A_326 = vector.shape_cast %get3A_325 : vector<16xf32> to vector<16xf32>
    %get3A_327 = arith.constant 832 : index
    %get3A_328 = tpu.vector_load %arg7[%get3A_327] {strides = array<i32>} : memref<1024xf32, #tpu.memory_space<vmem>>, vector<16xf32>,
    %get3A_329 = vector.shape_cast %get3A_328 : vector<16xf32> to vector<16xf32>
    %sub3A_330 = arith.subf %get3A_326, %get3A_329 : vector<16xf32>
    %swap3A_331 = arith.constant 320 : index
    %swap3A_332 = tpu.vector_load %arg7[%swap3A_331] {strides = array<i32>} : memref<1024xf32, #tpu.memory_space<vmem>>, vector<16xf32>,
    %swap3A_333 = vector.shape_cast %swap3A_332 : vector<16xf32> to vector<16xf32>
    %swap3A_334 = vector.shape_cast %sub3A_330 : vector<16xf32> to vector<16xf32>
    tpu.vector_store %arg7[%swap3A_331], %swap3A_334 {strides = array<i32>} : memref<1024xf32, #tpu.memory_space<vmem>>, vector<16xf32>,
    %get3A_335 = arith.constant 336 : index
    %get3A_336 = tpu.vector_load %arg7[%get3A_335] {strides = array<i32>} : memref<1024xf32, #tpu.memory_space<vmem>>, vector<16xf32>,
    %get3A_337 = vector.shape_cast %get3A_336 : vector<16xf32> to vector<16xf32>
    %get3A_338 = arith.constant 848 : index
    %get3A_339 = tpu.vector_load %arg7[%get3A_338] {strides = array<i32>} : memref<1024xf32, #tpu.memory_space<vmem>>, vector<16xf32>,
    %get3A_340 = vector.shape_cast %get3A_339 : vector<16xf32> to vector<16xf32>
    %sub3A_341 = arith.subf %get3A_337, %get3A_340 : vector<16xf32>
    %swap3A_342 = arith.constant 336 : index
    %swap3A_343 = tpu.vector_load %arg7[%swap3A_342] {strides = array<i32>} : memref<1024xf32, #tpu.memory_space<vmem>>, vector<16xf32>,
    %swap3A_344 = vector.shape_cast %swap3A_343 : vector<16xf32> to vector<16xf32>
    %swap3A_345 = vector.shape_cast %sub3A_341 : vector<16xf32> to vector<16xf32>
    tpu.vector_store %arg7[%swap3A_342], %swap3A_345 {strides = array<i32>} : memref<1024xf32, #tpu.memory_space<vmem>>, vector<16xf32>,
    %get3A_346 = arith.constant 352 : index
    %get3A_347 = tpu.vector_load %arg7[%get3A_346] {strides = array<i32>} : memref<1024xf32, #tpu.memory_space<vmem>>, vector<16xf32>,
    %get3A_348 = vector.shape_cast %get3A_347 : vector<16xf32> to vector<16xf32>
    %get3A_349 = arith.constant 864 : index
    %get3A_350 = tpu.vector_load %arg7[%get3A_349] {strides = array<i32>} : memref<1024xf32, #tpu.memory_space<vmem>>, vector<16xf32>,
    %get3A_351 = vector.shape_cast %get3A_350 : vector<16xf32> to vector<16xf32>
    %sub3A_352 = arith.subf %get3A_348, %get3A_351 : vector<16xf32>
    %swap3A_353 = arith.constant 352 : index
    %swap3A_354 = tpu.vector_load %arg7[%swap3A_353] {strides = array<i32>} : memref<1024xf32, #tpu.memory_space<vmem>>, vector<16xf32>,
    %swap3A_355 = vector.shape_cast %swap3A_354 : vector<16xf32> to vector<16xf32>
    %swap3A_356 = vector.shape_cast %sub3A_352 : vector<16xf32> to vector<16xf32>
    tpu.vector_store %arg7[%swap3A_353], %swap3A_356 {strides = array<i32>} : memref<1024xf32, #tpu.memory_space<vmem>>, vector<16xf32>,
    %get3A_357 = arith.constant 368 : index
    %get3A_358 = tpu.vector_load %arg7[%get3A_357] {strides = array<i32>} : memref<1024xf32, #tpu.memory_space<vmem>>, vector<16xf32>,
    %get3A_359 = vector.shape_cast %get3A_358 : vector<16xf32> to vector<16xf32>
    %get3A_360 = arith.constant 880 : index
    %get3A_361 = tpu.vector_load %arg7[%get3A_360] {strides = array<i32>} : memref<1024xf32, #tpu.memory_space<vmem>>, vector<16xf32>,
    %get3A_362 = vector.shape_cast %get3A_361 : vector<16xf32> to vector<16xf32>
    %sub3A_363 = arith.subf %get3A_359, %get3A_362 : vector<16xf32>
    %swap3A_364 = arith.constant 368 : index
    %swap3A_365 = tpu.vector_load %arg7[%swap3A_364] {strides = array<i32>} : memref<1024xf32, #tpu.memory_space<vmem>>, vector<16xf32>,
    %swap3A_366 = vector.shape_cast %swap3A_365 : vector<16xf32> to vector<16xf32>
    %swap3A_367 = vector.shape_cast %sub3A_363 : vector<16xf32> to vector<16xf32>
    tpu.vector_store %arg7[%swap3A_364], %swap3A_367 {strides = array<i32>} : memref<1024xf32, #tpu.memory_space<vmem>>, vector<16xf32>,
    %get3A_368 = arith.constant 384 : index
    %get3A_369 = tpu.vector_load %arg7[%get3A_368] {strides = array<i32>} : memref<1024xf32, #tpu.memory_space<vmem>>, vector<16xf32>,
    %get3A_370 = vector.shape_cast %get3A_369 : vector<16xf32> to vector<16xf32>
    %get3A_371 = arith.constant 896 : index
    %get3A_372 = tpu.vector_load %arg7[%get3A_371] {strides = array<i32>} : memref<1024xf32, #tpu.memory_space<vmem>>, vector<16xf32>,
    %get3A_373 = vector.shape_cast %get3A_372 : vector<16xf32> to vector<16xf32>
    %sub3A_374 = arith.subf %get3A_370, %get3A_373 : vector<16xf32>
    %swap3A_375 = arith.constant 384 : index
    %swap3A_376 = tpu.vector_load %arg7[%swap3A_375] {strides = array<i32>} : memref<1024xf32, #tpu.memory_space<vmem>>, vector<16xf32>,
    %swap3A_377 = vector.shape_cast %swap3A_376 : vector<16xf32> to vector<16xf32>
    %swap3A_378 = vector.shape_cast %sub3A_374 : vector<16xf32> to vector<16xf32>
    tpu.vector_store %arg7[%swap3A_375], %swap3A_378 {strides = array<i32>} : memref<1024xf32, #tpu.memory_space<vmem>>, vector<16xf32>,
    %get3A_379 = arith.constant 400 : index
    %get3A_380 = tpu.vector_load %arg7[%get3A_379] {strides = array<i32>} : memref<1024xf32, #tpu.memory_space<vmem>>, vector<16xf32>,
    %get3A_381 = vector.shape_cast %get3A_380 : vector<16xf32> to vector<16xf32>
    %get3A_382 = arith.constant 912 : index
    %get3A_383 = tpu.vector_load %arg7[%get3A_382] {strides = array<i32>} : memref<1024xf32, #tpu.memory_space<vmem>>, vector<16xf32>,
    %get3A_384 = vector.shape_cast %get3A_383 : vector<16xf32> to vector<16xf32>
    %sub3A_385 = arith.subf %get3A_381, %get3A_384 : vector<16xf32>
    %swap3A_386 = arith.constant 400 : index
    %swap3A_387 = tpu.vector_load %arg7[%swap3A_386] {strides = array<i32>} : memref<1024xf32, #tpu.memory_space<vmem>>, vector<16xf32>,
    %swap3A_388 = vector.shape_cast %swap3A_387 : vector<16xf32> to vector<16xf32>
    %swap3A_389 = vector.shape_cast %sub3A_385 : vector<16xf32> to vector<16xf32>
    tpu.vector_store %arg7[%swap3A_386], %swap3A_389 {strides = array<i32>} : memref<1024xf32, #tpu.memory_space<vmem>>, vector<16xf32>,
    %get3A_390 = arith.constant 416 : index
    %get3A_391 = tpu.vector_load %arg7[%get3A_390] {strides = array<i32>} : memref<1024xf32, #tpu.memory_space<vmem>>, vector<16xf32>,
    %get3A_392 = vector.shape_cast %get3A_391 : vector<16xf32> to vector<16xf32>
    %get3A_393 = arith.constant 928 : index
    %get3A_394 = tpu.vector_load %arg7[%get3A_393] {strides = array<i32>} : memref<1024xf32, #tpu.memory_space<vmem>>, vector<16xf32>,
    %get3A_395 = vector.shape_cast %get3A_394 : vector<16xf32> to vector<16xf32>
    %sub3A_396 = arith.subf %get3A_392, %get3A_395 : vector<16xf32>
    %swap3A_397 = arith.constant 416 : index
    %swap3A_398 = tpu.vector_load %arg7[%swap3A_397] {strides = array<i32>} : memref<1024xf32, #tpu.memory_space<vmem>>, vector<16xf32>,
    %swap3A_399 = vector.shape_cast %swap3A_398 : vector<16xf32> to vector<16xf32>
    %swap3A_400 = vector.shape_cast %sub3A_396 : vector<16xf32> to vector<16xf32>
    tpu.vector_store %arg7[%swap3A_397], %swap3A_400 {strides = array<i32>} : memref<1024xf32, #tpu.memory_space<vmem>>, vector<16xf32>,
    %get3A_401 = arith.constant 432 : index
    %get3A_402 = tpu.vector_load %arg7[%get3A_401] {strides = array<i32>} : memref<1024xf32, #tpu.memory_space<vmem>>, vector<16xf32>,
    %get3A_403 = vector.shape_cast %get3A_402 : vector<16xf32> to vector<16xf32>
    %get3A_404 = arith.constant 944 : index
    %get3A_405 = tpu.vector_load %arg7[%get3A_404] {strides = array<i32>} : memref<1024xf32, #tpu.memory_space<vmem>>, vector<16xf32>,
    %get3A_406 = vector.shape_cast %get3A_405 : vector<16xf32> to vector<16xf32>
    %sub3A_407 = arith.subf %get3A_403, %get3A_406 : vector<16xf32>
    %swap3A_408 = arith.constant 432 : index
    %swap3A_409 = tpu.vector_load %arg7[%swap3A_408] {strides = array<i32>} : memref<1024xf32, #tpu.memory_space<vmem>>, vector<16xf32>,
    %swap3A_410 = vector.shape_cast %swap3A_409 : vector<16xf32> to vector<16xf32>
    %swap3A_411 = vector.shape_cast %sub3A_407 : vector<16xf32> to vector<16xf32>
    tpu.vector_store %arg7[%swap3A_408], %swap3A_411 {strides = array<i32>} : memref<1024xf32, #tpu.memory_space<vmem>>, vector<16xf32>,
    %get3A_412 = arith.constant 448 : index
    %get3A_413 = tpu.vector_load %arg7[%get3A_412] {strides = array<i32>} : memref<1024xf32, #tpu.memory_space<vmem>>, vector<16xf32>,
    %get3A_414 = vector.shape_cast %get3A_413 : vector<16xf32> to vector<16xf32>
    %get3A_415 = arith.constant 960 : index
    %get3A_416 = tpu.vector_load %arg7[%get3A_415] {strides = array<i32>} : memref<1024xf32, #tpu.memory_space<vmem>>, vector<16xf32>,
    %get3A_417 = vector.shape_cast %get3A_416 : vector<16xf32> to vector<16xf32>
    %sub3A_418 = arith.subf %get3A_414, %get3A_417 : vector<16xf32>
    %swap3A_419 = arith.constant 448 : index
    %swap3A_420 = tpu.vector_load %arg7[%swap3A_419] {strides = array<i32>} : memref<1024xf32, #tpu.memory_space<vmem>>, vector<16xf32>,
    %swap3A_421 = vector.shape_cast %swap3A_420 : vector<16xf32> to vector<16xf32>
    %swap3A_422 = vector.shape_cast %sub3A_418 : vector<16xf32> to vector<16xf32>
    tpu.vector_store %arg7[%swap3A_419], %swap3A_422 {strides = array<i32>} : memref<1024xf32, #tpu.memory_space<vmem>>, vector<16xf32>,
    %get3A_423 = arith.constant 464 : index
    %get3A_424 = tpu.vector_load %arg7[%get3A_423] {strides = array<i32>} : memref<1024xf32, #tpu.memory_space<vmem>>, vector<16xf32>,
    %get3A_425 = vector.shape_cast %get3A_424 : vector<16xf32> to vector<16xf32>
    %get3A_426 = arith.constant 976 : index
    %get3A_427 = tpu.vector_load %arg7[%get3A_426] {strides = array<i32>} : memref<1024xf32, #tpu.memory_space<vmem>>, vector<16xf32>,
    %get3A_428 = vector.shape_cast %get3A_427 : vector<16xf32> to vector<16xf32>
    %sub3A_429 = arith.subf %get3A_425, %get3A_428 : vector<16xf32>
    %swap3A_430 = arith.constant 464 : index
    %swap3A_431 = tpu.vector_load %arg7[%swap3A_430] {strides = array<i32>} : memref<1024xf32, #tpu.memory_space<vmem>>, vector<16xf32>,
    %swap3A_432 = vector.shape_cast %swap3A_431 : vector<16xf32> to vector<16xf32>
    %swap3A_433 = vector.shape_cast %sub3A_429 : vector<16xf32> to vector<16xf32>
    tpu.vector_store %arg7[%swap3A_430], %swap3A_433 {strides = array<i32>} : memref<1024xf32, #tpu.memory_space<vmem>>, vector<16xf32>,
    %get3A_434 = arith.constant 480 : index
    %get3A_435 = tpu.vector_load %arg7[%get3A_434] {strides = array<i32>} : memref<1024xf32, #tpu.memory_space<vmem>>, vector<16xf32>,
    %get3A_436 = vector.shape_cast %get3A_435 : vector<16xf32> to vector<16xf32>
    %get3A_437 = arith.constant 992 : index
    %get3A_438 = tpu.vector_load %arg7[%get3A_437] {strides = array<i32>} : memref<1024xf32, #tpu.memory_space<vmem>>, vector<16xf32>,
    %get3A_439 = vector.shape_cast %get3A_438 : vector<16xf32> to vector<16xf32>
    %sub3A_440 = arith.subf %get3A_436, %get3A_439 : vector<16xf32>
    %swap3A_441 = arith.constant 480 : index
    %swap3A_442 = tpu.vector_load %arg7[%swap3A_441] {strides = array<i32>} : memref<1024xf32, #tpu.memory_space<vmem>>, vector<16xf32>,
    %swap3A_443 = vector.shape_cast %swap3A_442 : vector<16xf32> to vector<16xf32>
    %swap3A_444 = vector.shape_cast %sub3A_440 : vector<16xf32> to vector<16xf32>
    tpu.vector_store %arg7[%swap3A_441], %swap3A_444 {strides = array<i32>} : memref<1024xf32, #tpu.memory_space<vmem>>, vector<16xf32>,
    %get3A_445 = arith.constant 496 : index
    %get3A_446 = tpu.vector_load %arg7[%get3A_445] {strides = array<i32>} : memref<1024xf32, #tpu.memory_space<vmem>>, vector<16xf32>,
    %get3A_447 = vector.shape_cast %get3A_446 : vector<16xf32> to vector<16xf32>
    %get3A_448 = arith.constant 1008 : index
    %get3A_449 = tpu.vector_load %arg7[%get3A_448] {strides = array<i32>} : memref<1024xf32, #tpu.memory_space<vmem>>, vector<16xf32>,
    %get3A_450 = vector.shape_cast %get3A_449 : vector<16xf32> to vector<16xf32>
    %sub3A_451 = arith.subf %get3A_447, %get3A_450 : vector<16xf32>
    %swap3A_452 = arith.constant 496 : index
    %swap3A_453 = tpu.vector_load %arg7[%swap3A_452] {strides = array<i32>} : memref<1024xf32, #tpu.memory_space<vmem>>, vector<16xf32>,
    %swap3A_454 = vector.shape_cast %swap3A_453 : vector<16xf32> to vector<16xf32>
    %swap3A_455 = vector.shape_cast %sub3A_451 : vector<16xf32> to vector<16xf32>
    tpu.vector_store %arg7[%swap3A_452], %swap3A_455 {strides = array<i32>} : memref<1024xf32, #tpu.memory_space<vmem>>, vector<16xf32>,
    %add3A_456 = arith.constant 256 : i32
    %add3A_457 = arith.addi %mul3A_2, %add3A_456 : i32
    %dma_start3A_458 = arith.constant 256 : i32
    %dma_start3A_459 = tpu.memref_slice %arg7[%dma_start3A_458] : memref<1024xf32, #tpu.memory_space<vmem>> -> memref<256xf32, #tpu.memory_space<vmem>>
    %dma_start3A_460 = tpu.memref_slice %arg5[%add3A_457] : memref<16384xf32, #tpu.memory_space<hbm>> -> memref<256xf32, #tpu.memory_space<hbm>>
    %dma_start3A_461 = tpu.memref_slice %arg5[%add3A_457] : memref<16384xf32, #tpu.memory_space<hbm>> -> memref<256xf32, #tpu.memory_space<hbm>>
    %dma_start3A_462 = arith.constant 256 : i32
    %dma_start3A_463 = tpu.memref_slice %arg7[%dma_start3A_462] : memref<1024xf32, #tpu.memory_space<vmem>> -> memref<256xf32, #tpu.memory_space<vmem>>
    tpu.enqueue_dma source(%dma_start3A_463 : memref<256xf32, #tpu.memory_space<vmem>>) target(%dma_start3A_461 : memref<256xf32, #tpu.memory_space<hbm>>) target_semaphore(%arg17 : memref<!tpu.dma_semaphore, #tpu.memory_space<semaphore_mem>>)
    %dma_wait3A_464 = arith.constant 0 : i32
    %dma_wait3A_465 = tpu.memref_slice %arg7[%dma_wait3A_464] : memref<1024xf32, #tpu.memory_space<vmem>> -> memref<256xf32, #tpu.memory_space<vmem>>
    %dma_wait3A_466 = tpu.memref_slice %arg5[%mul3A_2] : memref<16384xf32, #tpu.memory_space<hbm>> -> memref<256xf32, #tpu.memory_space<hbm>>
    %dma_wait3A_467 = tpu.memref_slice %arg5[%mul3A_2] : memref<16384xf32, #tpu.memory_space<hbm>> -> memref<256xf32, #tpu.memory_space<hbm>>
    %dma_wait3A_468 = arith.constant 0 : i32
    %dma_wait3A_469 = tpu.memref_slice %arg7[%dma_wait3A_468] : memref<1024xf32, #tpu.memory_space<vmem>> -> memref<256xf32, #tpu.memory_space<vmem>>
    tpu.wait_dma2 semaphore(%arg16 : memref<!tpu.dma_semaphore, #tpu.memory_space<semaphore_mem>>) src(%dma_wait3A_469 : memref<256xf32, #tpu.memory_space<vmem>>) dst(%dma_wait3A_467 : memref<256xf32, #tpu.memory_space<hbm>>)
    %dma_wait3A_470 = arith.constant 256 : i32
    %dma_wait3A_471 = tpu.memref_slice %arg7[%dma_wait3A_470] : memref<1024xf32, #tpu.memory_space<vmem>> -> memref<256xf32, #tpu.memory_space<vmem>>
    %dma_wait3A_472 = tpu.memref_slice %arg5[%add3A_457] : memref<16384xf32, #tpu.memory_space<hbm>> -> memref<256xf32, #tpu.memory_space<hbm>>
    %dma_wait3A_473 = tpu.memref_slice %arg5[%add3A_457] : memref<16384xf32, #tpu.memory_space<hbm>> -> memref<256xf32, #tpu.memory_space<hbm>>
    %dma_wait3A_474 = arith.constant 256 : i32
    %dma_wait3A_475 = tpu.memref_slice %arg7[%dma_wait3A_474] : memref<1024xf32, #tpu.memory_space<vmem>> -> memref<256xf32, #tpu.memory_space<vmem>>
    tpu.wait_dma2 semaphore(%arg17 : memref<!tpu.dma_semaphore, #tpu.memory_space<semaphore_mem>>) src(%dma_wait3A_475 : memref<256xf32, #tpu.memory_space<vmem>>) dst(%dma_wait3A_473 : memref<256xf32, #tpu.memory_space<hbm>>)
    return
  }
}

module attributes {stable_mosaic.version = 14 : i64} {
  func.func @_combine_body(%arg0: memref<16384xf32, #tpu.memory_space<vmem>>, %arg1: memref<16384xf32, #tpu.memory_space<vmem>>, %arg2: memref<16384xf32, #tpu.memory_space<vmem>>) attributes {dimension_semantics = [], scalar_prefetch = 0 : i64, scratch_operands = 0 : i64, tpu.core_type = #tpu.core_type<tc>} {
    %get3A = arith.constant 0 : index
    %get3A_0 = vector.load %arg0[%get3A] : memref<16384xf32, #tpu.memory_space<vmem>>, vector<16384xf32>
    %get3A_1 = arith.constant 0 : index
    %get3A_2 = vector.load %arg1[%get3A_1] : memref<16384xf32, #tpu.memory_space<vmem>>, vector<16384xf32>
    %add3A = arith.addf %get3A_0, %get3A_2 : vector<16384xf32>
    %swap3A = arith.constant 0 : index
    %swap3A_3 = vector.load %arg2[%swap3A] : memref<16384xf32, #tpu.memory_space<vmem>>, vector<16384xf32>
    tpu.vector_store %arg2[%swap3A], %add3A {strides = array<i32>} : memref<16384xf32, #tpu.memory_space<vmem>>, vector<16384xf32>,
    return
  }
}

module attributes {stable_mosaic.version = 14 : i64} {
  func.func @_matvec_body(%arg0: i32, %arg1: memref<64x8192xf32, #tpu.memory_space<vmem>>, %arg2: memref<64xf32, #tpu.memory_space<vmem>>, %arg3: memref<1xf32, #tpu.memory_space<smem>>, %arg4: memref<8192xf32, #tpu.memory_space<vmem>>) attributes {dimension_semantics = [#tpu.dimension_semantics<arbitrary>], iteration_bounds = array<i64: 2>, scalar_prefetch = 0 : i64, scratch_operands = 0 : i64, tpu.core_type = #tpu.core_type<tc>, window_params = [{transform_indices = @transform_0, window_bounds = array<i64: 64, 8192>}, {pipeline_mode = #tpu.pipeline_mode<synchronous>, transform_indices = @transform_1, window_bounds = array<i64: 64>}, {transform_indices = @transform_2, window_bounds = array<i64: 1>}, {transform_indices = @transform_3, window_bounds = array<i64: 8192>}]} {
    %get3A = arith.constant 0 : index
    %get3A_0 = arith.constant 0 : index
    %get3A_1 = vector.load %arg1[%get3A, %get3A_0] : memref<64x8192xf32, #tpu.memory_space<vmem>>, vector<64x8192xf32>
    %get3A_2 = arith.constant 0 : index
    %get3A_3 = vector.load %arg2[%get3A_2] : memref<64xf32, #tpu.memory_space<vmem>>, vector<64xf32>
    %broadcast_in_dim3A = vector.shape_cast %get3A_3 : vector<64xf32> to vector<64x1xf32>
    %mul3A = vector.broadcast %broadcast_in_dim3A : vector<64x1xf32> to vector<64x8192xf32>
    %mul3A_4 = arith.mulf %get3A_1, %mul3A : vector<64x8192xf32>
    %reduce_sum3A = arith.constant dense<0.000000e+00> : vector<8192xf32>
    %reduce_sum3A_5 = vector.multi_reduction <add>, %mul3A_4, %reduce_sum3A [0] : vector<64x8192xf32> to vector<8192xf32>
    %get3A_6 = arith.constant 0 : index
    %get3A_7 = memref.load %arg3[%get3A_6] : memref<1xf32, #tpu.memory_space<smem>>
    %add3A = vector.broadcast %get3A_7 : f32 to vector<8192xf32>
    %add3A_8 = arith.addf %reduce_sum3A_5, %add3A : vector<8192xf32>
    %swap3A = arith.constant 0 : index
    %swap3A_9 = vector.load %arg4[%swap3A] : memref<8192xf32, #tpu.memory_space<vmem>>, vector<8192xf32>
    tpu.vector_store %arg4[%swap3A], %add3A_8 {strides = array<i32>} : memref<8192xf32, #tpu.memory_space<vmem>>, vector<8192xf32>,
    return
  }
  func.func @transform_0(%arg0: i32) -> (i32, i32) {
    %c0_i32 = arith.constant 0 : i32
    %c0_i32_0 = arith.constant 0 : i32
    return %c0_i32, %arg0 : i32, i32
  }
  func.func @transform_1(%arg0: i32) -> i32 {
    %c0_i32 = arith.constant 0 : i32
    %c0_i32_0 = arith.constant 0 : i32
    return %c0_i32 : i32
  }
  func.func @transform_2(%arg0: i32) -> i32 {
    %c0_i32 = arith.constant 0 : i32
    %c0_i32_0 = arith.constant 0 : i32
    return %c0_i32 : i32
  }
  func.func @transform_3(%arg0: i32) -> i32 {
    %c0_i32 = arith.constant 0 : i32
    return %arg0 : i32
  }
}

</mosaic_0001>

<sc_bundles>
// kernel: kernel.5.cloned.1.call-start
scs
__scs_entry_jumppad:
0x0: {  	(pc) =	sbr.rel $0x88, $3  }
0x1: {  	(tag) =	ssettag $0x0;
	lr =	simm.s32 $0x1  }
0x2: {  	[smem:$0x3F9B] =	sst lr;
	_ =	strace $0xD0000000  }
0x3: {  	_ = 	snop  }
0x4: {  	_ = 	snop  }
0x5: {  	_ = 	snop  }
0x6: {  	_ = 	snop  }
0x7: {  	_ = 	snop  }
__scs_overlays_trampoline_lowered:
0x8: {  	[smem:$0x3FAA] =	sst s0  }
0x9: {  	[smem:$0x3FAB] =	sst s1  }
0xa: {  	[smem:$0x3FAC] =	sst s2  }
0xb: {  	[smem:$0x3FAD] =	sst s3  }
0xc: {  	[smem:$0x3FAE] =	sst s4  }
0xd: {  	[smem:$0x3FAF] =	sst s5  }
0xe: {  	[smem:$0x3FB0] =	sst s6  }
0xf: {  	[smem:$0x3FB1] =	sst s7  }
0x10: {  	[smem:$0x3FB2] =	sst s8  }
0x11: {  	[smem:$0x3FB3] =	sst s9;
	s0 =	simm.s32 @!p0 $0x0  }
0x12: {  	s1 =	sld [smem:$0x3F99];
	s0 =	simm.s32 @p0 $0x1  }
0x13: {  	[smem:$0x3FB4] =	sst s0;
	s0 =	simm.s32 @!p1 $0x0  }
0x14: {  	s2 =	sld [smem:$0x3F98];
	s0 =	simm.s32 @p1 $0x1  }
0x15: {  	[smem:$0x3FB5] =	sst s0;
	s0 =	simm.s32 @!p2 $0x0  }
0x16: {  	s3 =	sld [smem:$0x3FDB];
	s0 =	simm.s32 @p2 $0x1  }
0x17: {  	s4 =	simm.s32 $0x1BF5;
	[smem:$0x3FB7] =	sst s0  }
0x18: {  	s0 =	sld [smem:$0x3F9A];
	_ =	swait.ge [sflag:s4], $0x0  }
0x19: {  	s7 =	sld [smem:$0x3F9B]  }
0x1a: {  	s8 =	sadd.s32 $0xFFFFE003, lr  }
0x1b: {  	s9 =	sadd.s32 $0xFFFFFEF7, lr;
	s5 =	simm.s32 $0xFFFFFFFF;
	p2 =	slt.u32 s8, $0xFFFFF086  }
0x1c: {  	p1 =	slt.u32 s9, $0xF7A;
	s5 =	simm.s32 @!p2 $0x0  }
0x1d: {  	s5 =	simm.s32 @p1 $0x1;
	p0 =	seq.s32 s7, s2  }
0x1e: {  	s7 =	smul.u32 @!p0 $0xF7A, s2;
	p2 =	seq.s32 @!p0 s5, $0x0  }
0x1f: {  	s9 =	smul.u32 $0xF7A, s1;
	s8 =	simm.s32 @!p0 $0x1BF5;
	p2 =	por !p2, p0  }
0x20: {  	[sflag:s8] =	ssyncset.s32 @!p0 $0xFFFFF086;
	s6 =	sadd.s32 @!p0 s3, s7;
	s7 =	simm.s32 @!p0 $0x108  }
0x21: {  	s3 =	sadd.s32 s3, s9;
	s6 =	sadd.s32 @!p0 $0x88, s6;
	s7 =	simm.s32 @p2 $0x1082  }
0x22: {  	[simem:s7], [sflag:s8] =	dma.local @!p0 [hbm:s6], $0xF7A  }
0x23: {  	s9 =	sor.u32 $0xD0000000, s2;
	s6 =	simm.s32 $0x108;
	_ =	swait.ge @!p0 [sflag:s8], $0x0  }
0x24: {  	s3 =	sadd.s32 $0x88, s3;
	s6 =	simm.s32 @!p1 $0x1082;
	[sflag:s4] =	ssyncset.s32 $0xFFFFF086  }
0x25: {  	[simem:s6], [sflag:s4] =	dma.local [hbm:s3], $0xF7A  }
0x26: {  	[smem:$0x3F9B] =	sst s1;
	(tag) =	ssettag s2;
	_ =	strace s9  }
0x27: {  	s1 =	sld [smem:$0x3FAB]  }
0x28: {  	s2 =	sld [smem:$0x3FAC]  }
0x29: {  	s4 =	sld [smem:$0x3FAE]  }
0x2a: {  	p0 =	seq.s32 s5, $0x0;
	s5 =	sld [smem:$0x3FAF]  }
0x2b: {  	s6 =	sld [smem:$0x3FB0]  }
0x2c: {  	s7 =	sld [smem:$0x3FB1]  }
0x2d: {  	s3 =	simm.s32 $0x108;
	s8 =	sld [smem:$0x3FB2]  }
0x2e: {  	s3 =	simm.s32 @!p0 $0x1082;
	s9 =	sld [smem:$0x3FB3]  }
0x2f: {  	lr =	sadd.s32 s0, s3;
	s0 =	sld [smem:$0x3FAA]  }
0x30: {  	s3 =	sld [smem:$0x3FAD]  }
0x31: {  	[smem:$0x3FB6] =	sst s10  }
0x32: {  	s10 =	sld [smem:$0x3FB4];
	_ =	sdelay $0x3  }
0x33: {  	p0 =	seq.s32 s10, $0x1;
	s10 =	sld [smem:$0x3FB6];
	_ =	sdelay $0x3  }
0x34: {  	[smem:$0x3FB6] =	sst s10  }
0x35: {  	s10 =	sld [smem:$0x3FB5];
	_ =	sdelay $0x3  }
0x36: {  	p1 =	seq.s32 s10, $0x1;
	s10 =	sld [smem:$0x3FB6];
	_ =	sdelay $0x3  }
0x37: {  	[smem:$0x3FB6] =	sst s10  }
0x38: {  	s10 =	sld [smem:$0x3FB7]  }
0x39: {  	_ = 	snop;
	(pc) =	sbr.ind lr, $3  }
0x3a: {  	_ = 	snop  }
0x3b: {  	_ = 	snop  }
0x3c: {  	p2 =	seq.s32 s10, $0x1;
	s10 =	sld [smem:$0x3FB6]  }
0x3d: {  	_ =	shalt  }
0x3e: {  	_ =	shalt  }
0x3f: {  	_ =	shalt  }
0x40: {  	_ =	shalt  }
0x41: {  	_ =	shalt  }
0x42: {  	_ =	shalt  }
0x43: {  	_ =	shalt  }
0x44: {  	_ =	shalt  }
0x45: {  	_ =	shalt  }
0x46: {  	_ =	shalt  }
0x47: {  	_ =	shalt  }
0x48: {  	_ =	shalt  }
0x49: {  	_ =	shalt  }
0x4a: {  	_ =	shalt  }
0x4b: {  	_ =	shalt  }
0x4c: {  	_ =	shalt  }
0x4d: {  	_ =	shalt  }
0x4e: {  	_ =	shalt  }
0x4f: {  	_ =	shalt  }
0x50: {  	_ =	shalt  }
0x51: {  	_ =	shalt  }
0x52: {  	_ =	shalt  }
0x53: {  	_ =	shalt  }
0x54: {  	_ =	shalt  }
0x55: {  	_ =	shalt  }
0x56: {  	_ =	shalt  }
0x57: {  	_ =	shalt  }
0x58: {  	_ =	shalt  }
0x59: {  	_ =	shalt  }
0x5a: {  	_ =	shalt  }
0x5b: {  	_ =	shalt  }
0x5c: {  	_ =	shalt  }
0x5d: {  	_ =	shalt  }
0x5e: {  	_ =	shalt  }
0x5f: {  	_ =	shalt  }
0x60: {  	_ =	shalt  }
0x61: {  	_ =	shalt  }
0x62: {  	_ =	shalt  }
0x63: {  	_ =	shalt  }
0x64: {  	_ =	shalt  }
0x65: {  	_ =	shalt  }
0x66: {  	_ =	shalt  }
0x67: {  	_ =	shalt  }
0x68: {  	_ =	shalt  }
0x69: {  	_ =	shalt  }
0x6a: {  	_ =	shalt  }
0x6b: {  	_ =	shalt  }
0x6c: {  	_ =	shalt  }
0x6d: {  	_ =	shalt  }
0x6e: {  	_ =	shalt  }
0x6f: {  	_ =	shalt  }
0x70: {  	_ =	shalt  }
0x71: {  	_ =	shalt  }
0x72: {  	_ =	shalt  }
0x73: {  	_ =	shalt  }
0x74: {  	_ =	shalt  }
0x75: {  	_ =	shalt  }
0x76: {  	_ =	shalt  }
0x77: {  	_ =	shalt  }
0x78: {  	_ =	shalt  }
0x79: {  	_ =	shalt  }
0x7a: {  	_ =	shalt  }
0x7b: {  	_ =	shalt  }
0x7c: {  	_ =	shalt  }
0x7d: {  	_ =	shalt  }
0x7e: {  	_ =	shalt  }
0x7f: {  	_ =	shalt  }
0x80: {  	_ =	shalt  }
0x81: {  	_ =	shalt  }
0x82: {  	_ =	shalt  }
0x83: {  	_ =	shalt  }
0x84: {  	_ =	shalt  }
0x85: {  	_ =	shalt  }
0x86: {  	_ =	shalt  }
0x87: {  	_ =	shalt  }
.Lfunc_end0:
.L_simem_size_0:
called_computation_lowered:
.L_overlay_start_0:
0x88: {  	s2 =	sld [smem:$0x3FD9]  }
0x89: {  	s3 =	sld [smem:$0x3FFE];
	_ =	sdelay $0x1  }
0x8a: {  	s1 =	srdreg.scid  }
0x8b: {  	s0 =	sand.u32 $0x1, s1  }
0x8c: {  	s18 =	sshll.u32 s0, $0xA;
	s2 =	sadd.s32 s3, s2  }
0x8d: {  	s2 =	sadd.s32 s2, s18  }
0x8e: {  	[smem:$0x3FC2] =	sst s2  }
0x8f: {  	_ = 	snop  }
0x90: {  	s2 =	sld [smem:$0x3FC9]  }
0x91: {  	s19 =	sld [smem:$0x3FC8]  }
0x92: {  	s4 =	sld [smem:$0x3FC6]  }
0x93: {  	s5 =	sld [smem:$0x3FD0];
	(tm) =	ssettm $0x1  }
0x94: {  	s6 =	sld [smem:$0x3FFB];
	_ =	sdelay $0x3  }
0x95: {  	_ =	strace s6  }
0x96: {  	s6 =	sld [smem:$0x3FFC];
	_ =	sdelay $0x3  }
0x97: {  	_ =	strace s6  }
0x98: {  	s6 =	sld [smem:$0x3FFD];
	_ =	sdelay $0x3  }
0x99: {  	_ =	strace s6  }
0x9a: {  	_ =	strace $0x8FFFFFFF  }
0x9b: {  	s20 =	sld [smem:$0x3FDB];
	_ =	sdelay $0x1  }
0x9c: {  	s7 =	simm.s32 $_scs_section_size  }
0x9d: {  	s8 =	simm.s32 $_size__tile_overlayer_lowered;
	s9 =	simm.s32 $_tile_overlayer_lowered  }
0x9e: {  	s23 =	simm.s32 $0x1BFF;
	s22 =	sshll.u32 s9, $0x1;
	s6 =	sadd.s32 s7, s20  }
0x9f: {  	s10 =	simm.s32 $0x0;
	s21 =	sshll.u32 s8, $0x1;
	s8 =	sadd.s32 s22, s6  }
0xa0: {  	[timem:s10], [sflag:s23] =	dma.local [hbm:s8], s21  }
0xa1: {  	_ =	swait.ge [sflag:s23], s21  }
0xa2: {  	s7 =	ssub.s32 $0x0, s21;
	[sflag:s23] =	ssyncset.done $0x0  }
0xa3: {  	[sflag:s23] =	ssyncadd.s32 s7;
	_ =	sdelay $0x1  }
0xa4: {  	s24 =	simm.s32 $0x1B8B  }
0xa5: {  	_ =	swait.ge [sflag:s24], $0x1  }
0xa6: {  	[sflag:s24] =	ssyncset.done $0x0  }
0xa7: {  	s25 =	simm.s32 $0x1B8E;
	[sflag:s24] =	ssyncadd.s32 $0xFFFFFFFF  }
0xa8: {  	s26 =	simm.s32 $execute0_lowered;
	[smem:$0x3FD2] =	sst s25  }
0xa9: {  	s7 =	sshll.u32 s26, $0x1;
	_ =	strace $0x80000046;
	[dreg:$0x1] =	wrdreg $0xFFFFFFFF  }
0xaa: {  	s28 =	simm.s32 $_size_execute0_lowered;
	s6 =	sadd.s32 s6, s7;
	[dreg:$0x0] =	wrdreg $0x0  }
0xab: {  	s7 =	sshll.u32 s28, $0x1;
	[dreg:$0x2] =	wrdreg s6  }
0xac: {  	[dreg:$0x3] =	wrdreg s7  }
0xad: {  	[dreg:$0x4] =	wrdreg $0xC0  }
0xae: {  	_ =	task [dreg:s10], $0x5FFFF  }
0xaf: {  	[dreg:$0x1] =	wrdreg $0xFFFFFFFF  }
0xb0: {  	[dreg:$0x0] =	wrdreg $0x60  }
0xb1: {  	[dreg:$0x2] =	wrdreg s2  }
0xb2: {  	[dreg:$0x3] =	wrdreg s19  }
0xb3: {  	[dreg:$0x4] =	wrdreg s4  }
0xb4: {  	[dreg:$0x5] =	wrdreg s5  }
0xb5: {  	[dreg:$0x6] =	wrdreg $0x9  }
0xb6: {  	_ =	task.clear_ibuf [dreg:s10], $0x7FFFF;
	_ =	strace $0x90000046  }
0xb7: {  	s29 =	simm.s32 $0x9;
	_ =	strace $0x80000048  }
0xb8: {  	_ =	swait.ge [sflag:s29], $0x1  }
0xb9: {  	[sflag:s29] =	ssyncadd.s32 $0xFFFFFFFF  }
0xba: {  	_ =	strace $0x90000048  }
0xbb: {  	_ =	sfence  }
0xbc: {  	s30 =	sld [smem:$0x0];
	_ =	sdelay $0x2  }
0xbd: {  	s31 =	sshll.u32 s1, $0xD;
	s1 =	sshrl.u32 s1, $0x2  }
0xbe: {  	s3 =	sand.u32 $0x4000, s31;
	s1 =	sadd.s32 s1, s30  }
0xbf: {  	s0 =	sor.u32 s3, s0;
	s1 =	sshll.u32 s1, $0x11  }
0xc0: {  	s0 =	sor.u32 s1, s0  }
0xc1: {  	s0 =	sadd.s32 $0x8F2B, s0  }
0xc2: {  	[sflag:s0] =	ssyncadd.remote.s32 $0x1  }
0xc3: {  	_ =	sfence.sel $0xFFFF  }
0xc4: {  	[dreg:$0x0] =	wrdreg $0xFFFFFFFF;
	(pc) =	sbr.abs _section_cstart, $3  }
0xc5: {  	[dreg:$0x1] =	wrdreg $0xFFFFFFFF  }
0xc6: {  	_ =	task.clear_ibuf [dreg:s10], $0x2FFFF;
	_ =	strace $0x9FFFFFFF  }
0xc7: {  	(tm) =	ssettm $0x7FFFFFFF  }
tec
execute0_lowered:
.L_overlay_start_1:
0x0: {  	(tag) =	ssettag $0x1  }
0x1: {  	s6 =	rddreg [dreg:$0x0]  }
0x2: {  	s7 =	rddreg [dreg:$0x1]  }
0x3: {  	s1 =	rddreg [dreg:$0x2]  }
0x4: {  	s9 =	rddreg [dreg:$0x3]  }
0x5: {  	s0 =	rddreg [dreg:$0x4];
	s4 =	srdreg.scid  }
0x6: {  	s3 =	simm.s32 $0x0;
	s2 =	stileid.u32;
	s12 =	simm.s32 $0x100  }
0x7: {  	s13 =	simm.s32 $0x300;
	s14 =	simm.s32 $0x1;
	s15 =	simm.s32 $0x400  }
0x8: {  	s16 =	simm.s32 $0x2;
	s17 =	simm.s32 $0x600;
	s18 =	simm.s32 $0x3  }
0x9: {  	s19 =	simm.s32 $0x500;
	s20 =	simm.s32 $0x4;
	s21 =	simm.s32 $0x700  }
0xa: {  	s22 =	simm.s32 $0x5;
	s23 =	simm.s32 $0x6;
	s24 =	simm.s32 $0x7  }
0xb: {  	s25 =	simm.s32 $0x8;
	s26 =	simm.s32 $0x9;
	s4 =	sand.u32 $0x1, s4  }
0xc: {  	s28 =	simm.s32 $0xA;
	s8 =	sshll.u32 s2, $0x7;
	s5 =	ssub.s32 $0x2, s4  }
0xd: {  	[smem:$0x7FF] =	sst s3;
	s4 =	sshll.u32 s4, $0x6;
	s10 =	sshrl.u32 s5, $0x1  }
0xe: {  	_ =	strace $0x80000047;
	s8 =	sor.u32 s4, s8;
	s10 =	ssub.s32 s5, s10  }
0xf: {  	s11 =	sor.u32 $0x20, s8;
	s4 =	sadd.s32 s6, s8;
	s5 =	sadd.s32 s7, s8  }
0x10: {  	s8 =	sadd.s32 s9, s8;
	s6 =	sadd.s32 s6, s11;
	s7 =	sadd.s32 s7, s11  }
0x11: {  	s9 =	sadd.s32 s9, s11;
	s10 =	smax.u32 s10, $0x1;
	s11 =	simm.s32 $0x200  }
.LBB2_1:
0x12: {  	[tilespmem:s3], [sflag:$0x1] =	stream.linear.gather [hbm4b:s4+s3], $0x100, $0x38;
	[tilespmem:$0x800] =	vst v63  }
0x13: {  	_ = 	snop  }
0x14: {  	[tilespmem:s11], [sflag:$0x2] =	stream.linear.gather [hbm4b:s5+s3], $0x100, $0x38;
	[tilespmem:$0x800] =	vst v63  }
0x15: {  	_ = 	snop  }
0x16: {  	[tilespmem:s12], [sflag:$0x3] =	stream.linear.gather [hbm4b:s6+s3], $0x100, $0x38;
	[tilespmem:$0x800] =	vst v63  }
0x17: {  	_ = 	snop  }
0x18: {  	[tilespmem:s13], [sflag:$0x4] =	stream.linear.gather [hbm4b:s7+s3], $0x100, $0x38;
	[tilespmem:$0x800] =	vst v63  }
0x19: {  	_ =	swait.ge [sflag:s14], $0x100  }
0x1a: {  	[sflag:s14] =	ssyncset.done $0x0  }
0x1b: {  	[sflag:s14] =	ssyncadd.s32 $0xFFFFFF00  }
0x1c: {  	[tilespmem:s15], [sflag:$0x5] =	stream.indirect.gather [hbm4b:s1+s12], $0x1, s3, s12, $0xb8;
	[tilespmem:$0x800] =	vst v63  }
0x1d: {  	_ =	swait.ge [sflag:s16], $0x100  }
0x1e: {  	[sflag:s16] =	ssyncset.done $0x0  }
0x1f: {  	[sflag:s16] =	ssyncadd.s32 $0xFFFFFF00  }
0x20: {  	[tilespmem:s17], [sflag:$0x6] =	stream.indirect.gather [hbm4b:s1+s12], $0x1, s11, s12, $0xb8;
	[tilespmem:$0x800] =	vst v63  }
0x21: {  	_ =	swait.ge [sflag:s18], $0x100  }
0x22: {  	[sflag:s18] =	ssyncset.done $0x0  }
0x23: {  	[sflag:s18] =	ssyncadd.s32 $0xFFFFFF00  }
0x24: {  	[tilespmem:s19], [sflag:$0x7] =	stream.indirect.gather [hbm4b:s1+s12], $0x1, s12, s12, $0xb8;
	[tilespmem:$0x800] =	vst v63  }
0x25: {  	_ =	swait.ge [sflag:s20], $0x100  }
0x26: {  	[sflag:s20] =	ssyncset.done $0x0  }
0x27: {  	[sflag:s20] =	ssyncadd.s32 $0xFFFFFF00  }
0x28: {  	[tilespmem:s21], [sflag:$0x8] =	stream.indirect.gather [hbm4b:s1+s12], $0x1, s13, s12, $0xb8;
	[tilespmem:$0x800] =	vst v63  }
0x29: {  	_ =	swait.ge [sflag:s22], $0x100  }
0x2a: {  	[sflag:s22] =	ssyncset.done $0x0  }
0x2b: {  	[sflag:s22] =	ssyncadd.s32 $0xFFFFFF00  }
0x2c: {  	_ =	swait.ge [sflag:s23], $0x100  }
0x2d: {  	[sflag:s23] =	ssyncset.done $0x0  }
0x2e: {  	[sflag:s23] =	ssyncadd.s32 $0xFFFFFF00  }
0x2f: {  	v0 =	vld [tilespmem:$0x400]  }
0x30: {  	v1 =	vld [tilespmem:$0x600]  }
0x31: {  	v2 =	vld [tilespmem:$0x410]  }
0x32: {  	v3 =	vld [tilespmem:$0x610]  }
0x33: {  	v4 =	vld [tilespmem:$0x420]  }
0x34: {  	v5 =	vld [tilespmem:$0x620]  }
0x35: {  	v6 =	vld [tilespmem:$0x430]  }
0x36: {  	v7 =	vld [tilespmem:$0x630]  }
0x37: {  	v8 =	vld [tilespmem:$0x440]  }
0x38: {  	v9 =	vld [tilespmem:$0x640]  }
0x39: {  	v10 =	vld [tilespmem:$0x450]  }
0x3a: {  	v11 =	vld [tilespmem:$0x650]  }
0x3b: {  	v12 =	vld [tilespmem:$0x460]  }
0x3c: {  	v13 =	vld [tilespmem:$0x660]  }
0x3d: {  	v14 =	vld [tilespmem:$0x470]  }
0x3e: {  	v15 =	vld [tilespmem:$0x670]  }
0x3f: {  	v16 =	vld [tilespmem:$0x480]  }
0x40: {  	v17 =	vld [tilespmem:$0x680]  }
0x41: {  	v18 =	vld [tilespmem:$0x490]  }
0x42: {  	v19 =	vld [tilespmem:$0x690]  }
0x43: {  	v20 =	vld [tilespmem:$0x4A0]  }
0x44: {  	v35 =	vld [tilespmem:$0x6A0];
	v0 =	vsub.f32 v0, v1  }
0x45: {  	v36 =	vld [tilespmem:$0x4B0];
	v2 =	vsub.f32 v2, v3  }
0x46: {  	v38 =	vld [tilespmem:$0x6B0];
	v37 =	vsub.f32 v4, v5;
	[tilespmem:$0x400] =	vst v0  }
0x47: {  	v40 =	vld [tilespmem:$0x4C0];
	v39 =	vsub.f32 v6, v7;
	[tilespmem:$0x410] =	vst v2  }
0x48: {  	v42 =	vld [tilespmem:$0x6C0];
	v41 =	vsub.f32 v8, v9;
	[tilespmem:$0x420] =	vst v37  }
0x49: {  	v44 =	vld [tilespmem:$0x4D0];
	v43 =	vsub.f32 v10, v11;
	[tilespmem:$0x430] =	vst v39  }
0x4a: {  	v46 =	vld [tilespmem:$0x6D0];
	v45 =	vsub.f32 v12, v13;
	[tilespmem:$0x440] =	vst v41  }
0x4b: {  	v48 =	vld [tilespmem:$0x4E0];
	v47 =	vsub.f32 v14, v15;
	[tilespmem:$0x450] =	vst v43  }
0x4c: {  	v50 =	vld [tilespmem:$0x6E0];
	v49 =	vsub.f32 v16, v17;
	[tilespmem:$0x460] =	vst v45  }
0x4d: {  	v52 =	vld [tilespmem:$0x4F0];
	v51 =	vsub.f32 v18, v19;
	[tilespmem:$0x470] =	vst v47  }
0x4e: {  	v54 =	vld [tilespmem:$0x6F0];
	v53 =	vsub.f32 v20, v35;
	[tilespmem:$0x480] =	vst v49  }
0x4f: {  	v55 =	vsub.f32 v36, v38;
	[tilespmem:$0x490] =	vst v51  }
0x50: {  	v56 =	vsub.f32 v40, v42;
	[tilespmem:$0x4A0] =	vst v53  }
0x51: {  	v57 =	vsub.f32 v44, v46;
	[tilespmem:$0x4B0] =	vst v55  }
0x52: {  	v58 =	vsub.f32 v48, v50;
	[tilespmem:$0x4C0] =	vst v56  }
0x53: {  	v1 =	vsub.f32 v52, v54;
	[tilespmem:$0x4D0] =	vst v57  }
0x54: {  	[tilespmem:$0x4E0] =	vst v58  }
0x55: {  	[tilespmem:$0x4F0] =	vst v1  }
0x56: {  	[hbm4b:s8+s3] =	stream.linear.scatter [tilespmem:s15], [sflag:$0x9], $0x100, $0x38;
	[tilespmem:$0x800] =	vst v63  }
0x57: {  	_ =	swait.ge [sflag:s24], $0x100  }
0x58: {  	[sflag:s24] =	ssyncset.done $0x0  }
0x59: {  	[sflag:s24] =	ssyncadd.s32 $0xFFFFFF00  }
0x5a: {  	_ =	swait.ge [sflag:s25], $0x100  }
0x5b: {  	[sflag:s25] =	ssyncset.done $0x0  }
0x5c: {  	[sflag:s25] =	ssyncadd.s32 $0xFFFFFF00  }
0x5d: {  	v59 =	vld [tilespmem:$0x500]  }
0x5e: {  	v60 =	vld [tilespmem:$0x700]  }
0x5f: {  	v61 =	vld [tilespmem:$0x510]  }
0x60: {  	v62 =	vld [tilespmem:$0x710]  }
0x61: {  	v63 =	vld [tilespmem:$0x520]  }
0x62: {  	v24 =	vld [tilespmem:$0x720]  }
0x63: {  	v25 =	vld [tilespmem:$0x530]  }
0x64: {  	v26 =	vld [tilespmem:$0x730]  }
0x65: {  	v27 =	vld [tilespmem:$0x540]  }
0x66: {  	v28 =	vld [tilespmem:$0x740]  }
0x67: {  	v29 =	vld [tilespmem:$0x550]  }
0x68: {  	v30 =	vld [tilespmem:$0x750]  }
0x69: {  	v31 =	vld [tilespmem:$0x560]  }
0x6a: {  	v32 =	vld [tilespmem:$0x760]  }
0x6b: {  	v33 =	vld [tilespmem:$0x570]  }
0x6c: {  	v34 =	vld [tilespmem:$0x770]  }
0x6d: {  	v35 =	vld [tilespmem:$0x580]  }
0x6e: {  	v36 =	vld [tilespmem:$0x780]  }
0x6f: {  	v37 =	vld [tilespmem:$0x590]  }
0x70: {  	v38 =	vld [tilespmem:$0x790]  }
0x71: {  	v39 =	vld [tilespmem:$0x5A0]  }
0x72: {  	v40 =	vld [tilespmem:$0x7A0];
	v0 =	vsub.f32 v59, v60  }
0x73: {  	v41 =	vld [tilespmem:$0x5B0];
	v2 =	vsub.f32 v61, v62  }
0x74: {  	v43 =	vld [tilespmem:$0x7B0];
	v42 =	vsub.f32 v63, v24;
	[tilespmem:$0x500] =	vst v0  }
0x75: {  	v45 =	vld [tilespmem:$0x5C0];
	v44 =	vsub.f32 v25, v26;
	[tilespmem:$0x510] =	vst v2  }
0x76: {  	v47 =	vld [tilespmem:$0x7C0];
	v46 =	vsub.f32 v27, v28;
	[tilespmem:$0x520] =	vst v42  }
0x77: {  	v49 =	vld [tilespmem:$0x5D0];
	v48 =	vsub.f32 v29, v30;
	[tilespmem:$0x530] =	vst v44  }
0x78: {  	v51 =	vld [tilespmem:$0x7D0];
	v50 =	vsub.f32 v31, v32;
	[tilespmem:$0x540] =	vst v46  }
0x79: {  	v53 =	vld [tilespmem:$0x5E0];
	v52 =	vsub.f32 v33, v34;
	[tilespmem:$0x550] =	vst v48  }
0x7a: {  	v55 =	vld [tilespmem:$0x7E0];
	v54 =	vsub.f32 v35, v36;
	[tilespmem:$0x560] =	vst v50  }
0x7b: {  	v57 =	vld [tilespmem:$0x5F0];
	v56 =	vsub.f32 v37, v38;
	[tilespmem:$0x570] =	vst v52  }
0x7c: {  	v58 =	vsub.f32 v39, v40;
	v59 =	vld [tilespmem:$0x7F0];
	[tilespmem:$0x580] =	vst v54  }
0x7d: {  	v60 =	vsub.f32 v41, v43;
	[tilespmem:$0x590] =	vst v56  }
0x7e: {  	v61 =	vsub.f32 v45, v47;
	[tilespmem:$0x5A0] =	vst v58  }
0x7f: {  	v62 =	vsub.f32 v49, v51;
	[tilespmem:$0x5B0] =	vst v60  }
0x80: {  	v63 =	vsub.f32 v53, v55;
	[tilespmem:$0x5C0] =	vst v61  }
0x81: {  	[tilespmem:$0x5D0] =	vst v62;
	v1 =	vsub.f32 v57, v59  }
0x82: {  	[tilespmem:$0x5E0] =	vst v63  }
0x83: {  	[tilespmem:$0x5F0] =	vst v1  }
0x84: {  	[hbm4b:s9+s3] =	stream.linear.scatter [tilespmem:s19], [sflag:$0xA], $0x100, $0x38;
	[tilespmem:$0x800] =	vst v63  }
0x85: {  	p0 =	sne.s32 s10, $0x1;
	_ =	swait.ge [sflag:s26], $0x100  }
.Ltmp0:
0x86: {  	[sflag:s26] =	ssyncset.done $0x0;
	(pc) =	sbr.rel @p0 .LBB2_1-.Ltmp0, $4  }
0x87: {  	[sflag:s26] =	ssyncadd.s32 $0xFFFFFF00  }
0x88: {  	_ =	swait.ge [sflag:s28], $0x100  }
0x89: {  	[sflag:s28] =	ssyncset.done $0x0  }
0x8a: {  	s10 =	sadd.s32 $0xFFFFFFFF, s10;
	[sflag:s28] =	ssyncadd.s32 $0xFFFFFF00  }
0x8b: {  	_ =	sfence.sel $0x180000  }
0x8c: {  	[bflag:$0x0] =	sbarrier.arrive $0xFFFF  }
0x8d: {  	p0 =	sne.s32 s2, $0x0;
	_ =	strace $0x90000047  }
0x8e: {  	s0 =	sadd.s32 @!p0 $0x100000, s0;
	[bflag:$0x2] =	sbarrier.arrive $0xFFFF  }
0x8f: {  	[sflag:s0] =	ssyncadd.tile.s32 @!p0 $0x1;
	_ =	shalt  }
.Lfunc_end2:
_tile_overlayer_lowered:
.L_overlay_start_2:
0x90: {  	(tag) =	ssettag $0x2  }
0x91: {  	s0 =	rddreg [dreg:$0x0];
	s2 =	stileid.u32  }
0x92: {  	s1 =	rddreg [dreg:$0x1];
	p0 =	sne.s32 s2, $0x0  }
0x93: {  	s3 =	rddreg [dreg:$0x2];
	[bflag:$0x3] =	sbarrier.arrive $0xFFFF;
	s2 =	simm.s32 @!p0 $0x1C0B  }
0x94: {  	[timem:s3], [sflag:s2] =	dma.local @!p0 [hbm:s0], s1  }
0x95: {  	s0 =	simm.s32 @!p0 $0xB  }
0x96: {  	_ =	swait.ge @!p0 [sflag:s0], s1  }
0x97: {  	s1 =	ssub.s32 @!p0 $0x0, s1;
	[sflag:s0] =	ssyncset.done @!p0 $0x0  }
0x98: {  	[sflag:s0] =	ssyncadd.s32 @!p0 s1  }
0x99: {  	[bflag:$0x3] =	sbarrier.arrive $0xFFFF  }
0x9a: {  	_ =	shalt  }

</sc_bundles>
